<compile_context>
chip_gen: v7x
topology: tpu7x:2x2x1
jax: 0.10.2.dev20260603
libtpu: 0.0.44.dev20260713+nightly
codegen_flags: <defaults>
</compile_context>

<pallas_src>
import functools

import jax
import jax.numpy as jnp
from jax import lax
from jax.experimental import pallas as pl
from jax.experimental.pallas import tpu as pltpu
from jax.experimental.pallas import tpu_sc as plsc

_N = 471
_NPAD = 512
_TOPK = 50
_RHO = 1.0
_W = 0.01
_LAMDA = 0.1
_MU = 0.01
_G = 2
_RB = 4096 // _G


def _tc_body(theta_ref, z_ref, u_ref, A_ref, qt_ref, wlin_ref, blin_ref,
             out_ref, qacc, aacc):
    g = pl.program_id(0)
    f32 = jnp.float32

    @pl.when(g == 0)
    def _init():
        qacc[...] = jnp.zeros_like(qacc)
        aacc[...] = jnp.zeros_like(aacc)

    qacc[...] += lax.dot_general(
        theta_ref[...], qt_ref[...], (((1,), (0,)), ((), ())),
        preferred_element_type=f32)
    aacc[...] += lax.dot_general(
        jnp.ones((1, _RB), f32), A_ref[...], (((1,), (0,)), ((), ())),
        preferred_element_type=f32)

    @pl.when(g == _G - 1)
    def _finish():
        z = z_ref[...]
        b = _W + (1.0 / _N) * qacc[...]
        a_mean = (1.0 / 4096.0) * aacc[...]
        w2 = lax.dot_general(
            a_mean, wlin_ref[...], (((1,), (1,)), ((), ())),
            preferred_element_type=f32) + blin_ref[...]
        gsum = 2.0 * _LAMDA * (jnp.sum(z) - 1.0)
        grad = w2 + _RHO * (z - b) + u_ref[...] + gsum \
            + 2.0 * _LAMDA * jnp.minimum(0.0, z)
        zn = jnp.maximum(z - _MU * grad, 0.0)
        pad = jnp.full((1, _NPAD - _N), -1.0, f32)
        out_ref[...] = jnp.concatenate([zn, pad], axis=1)


def _tc_dense(theta_row, zr, ur, A, q_t, W_lin, br):
    return pl.pallas_call(
        _tc_body,
        grid=(_G,),
        in_specs=[
            pl.BlockSpec((1, _RB), lambda g: (0, g)),
            pl.BlockSpec((1, _N), lambda g: (0, 0)),
            pl.BlockSpec((1, _N), lambda g: (0, 0)),
            pl.BlockSpec((_RB, 256), lambda g: (g, 0)),
            pl.BlockSpec((_RB, _N), lambda g: (g, 0)),
            pl.BlockSpec((_N, 256), lambda g: (0, 0)),
            pl.BlockSpec((1, _N), lambda g: (0, 0)),
        ],
        out_specs=pl.BlockSpec((1, _NPAD), lambda g: (0, 0)),
        out_shape=jax.ShapeDtypeStruct((1, _NPAD), jnp.float32),
        scratch_shapes=[
            pltpu.VMEM((1, _N), jnp.float32),
            pltpu.VMEM((1, 256), jnp.float32),
        ],
    )(theta_row, zr, ur, A, q_t, W_lin, br)


def _sc_mask_call(zn_pad):
    mesh = plsc.VectorSubcoreMesh(core_axis_name="c", subcore_axis_name="s")

    @functools.partial(
        pl.kernel,
        out_type=jax.ShapeDtypeStruct((_NPAD,), jnp.float32),
        mesh=mesh,
        scratch_types=[
            pltpu.VMEM((_NPAD,), jnp.float32),
            pltpu.VMEM((16,), jnp.float32),
        ],
    )
    def _sc_mask(zn_hbm, out_hbm, z_v, o_v):
        c = lax.axis_index("c")
        s = lax.axis_index("s")
        wid = s * 2 + c
        pltpu.sync_copy(zn_hbm, z_v)
        base = wid * 16
        zb = z_v[pl.ds(base, 16)]

        def body(kb, rank):
            zk = z_v[pl.ds(kb * 16, 16)]
            for l in range(16):
                rank = rank + jnp.where(zk[l] > zb, 1.0, 0.0)
            return rank

        rank = lax.fori_loop(0, 30, body, jnp.zeros((16,), jnp.float32),
                             unroll=5)
        o_v[...] = jnp.where(rank < float(_TOPK), zb, 0.0)
        pltpu.sync_copy(o_v, out_hbm.at[pl.ds(base, 16)])

    return _sc_mask(zn_pad)


def kernel(theta, z, u, A, q_t, W_lin, b_lin):
    zn_pad = _tc_dense(theta.reshape(1, 4096), z.reshape(1, _N),
                       u.reshape(1, _N), A, q_t, W_lin,
                       b_lin.reshape(1, _N))
    z_masked = _sc_mask_call(zn_pad.reshape(_NPAD))
    return (z_masked[:_N], q_t)

# --- scband reference (transcript-rebuilt; emitter-appended) ---
"""Pipeline reference for scband-z-update-layer-39900246180387 (READ-ONLY COPY).

The authoritative reference and input builder live on the scoring server;
editing this copy changes nothing except your own understanding.
"""

import jax, jax.numpy as jnp
import numpy as np


def setup_inputs(seed: int = 0) -> dict:
    key = jax.random.key(seed)
    ks = jax.random.split(key, 7)
    theta = jax.random.normal(ks[0], (4096,), dtype=jnp.float32)
    z = jax.random.uniform(ks[1], (471,), dtype=jnp.float32)
    u = jax.random.normal(ks[2], (471,), dtype=jnp.float32)
    A = jax.random.normal(ks[3], (4096, 256), dtype=jnp.float32)
    q_t = jax.random.normal(ks[4], (4096, 471), dtype=jnp.float32)
    W_lin = jax.random.normal(ks[5], (471, 256), dtype=jnp.float32) * (1.0 / np.sqrt(256.0))
    b_lin = jax.random.normal(ks[6], (471,), dtype=jnp.float32) * 0.01
    return {"theta": theta, "z": z, "u": u, "A": A, "q_t": q_t, "W_lin": W_lin, "b_lin": b_lin}


def reference(theta, z, u, A, q_t, W_lin, b_lin):
    rho = 1.0
    w = 0.01
    lamda = 0.1
    mu = 0.01
    topk = 50
    N = 471
    ones = jnp.ones((N,), dtype=z.dtype)
    b = w + (1.0 / N) * jnp.matmul(q_t.T, theta)
    term1 = jnp.matmul(A, W_lin.T) + b_lin
    W2 = term1.mean(axis=0)
    grad_z = W2 + rho * (z - b) + u
    grad_constraint_sum1 = 2.0 * lamda * (jnp.matmul(z, ones) - 1.0) * ones
    grad_nonneg = 2.0 * lamda * jnp.minimum(jnp.zeros_like(z), z)
    grad_z = grad_z + grad_constraint_sum1 + grad_nonneg
    z_new = z - mu * grad_z
    z_new = jax.nn.relu(z_new)
    _, indices = jax.lax.top_k(z_new, topk)
    mask = jnp.zeros_like(z_new).at[indices].set(1.0)
    z_new = z_new * mask
    return (z_new, q_t)

if __name__ == "__main__":
    import jax
    _d = setup_inputs()
    print(jax.jit(kernel)(*tuple(_d.values())))

</pallas_src>

<mosaic_0001>
#map = affine_map<(d0, d1) -> (0)>
module attributes {stable_mosaic.version = 14 : i64} {
  func.func @_sc_mask(%arg0: i32, %arg1: i32, %arg2: memref<512xf32, #tpu.memory_space<hbm>>, %arg3: memref<512xf32, #tpu.memory_space<hbm>>, %arg4: memref<512xf32, #tpu.memory_space<vmem>>, %arg5: memref<16xf32, #tpu.memory_space<vmem>>) attributes {dimension_semantics = [#tpu.dimension_semantics<core_parallel>, #tpu.dimension_semantics<subcore_parallel>], iteration_bounds = array<i64: 2, 16>, scalar_prefetch = 0 : i64, scratch_operands = 2 : i64, tpu.core_type = #tpu.core_type<sc_vector_subcore>, window_params = [{transform_indices = #map}, {transform_indices = #map}]} {
    %mul3A = arith.constant 2 : i32
    %mul3A_0 = arith.muli %arg1, %mul3A : i32
    %add3A = arith.addi %mul3A_0, %arg0 : i32
    "tpu.region"() ({
      %run_scoped3A = tpu.sem_alloc : memref<!tpu.dma_semaphore, #tpu.memory_space<semaphore_mem>>
      tpu.enqueue_dma source(%arg2 : memref<512xf32, #tpu.memory_space<hbm>>) target(%arg4 : memref<512xf32, #tpu.memory_space<vmem>>) target_semaphore(%run_scoped3A : memref<!tpu.dma_semaphore, #tpu.memory_space<semaphore_mem>>)
      tpu.wait_dma2 semaphore(%run_scoped3A : memref<!tpu.dma_semaphore, #tpu.memory_space<semaphore_mem>>) src(%arg2 : memref<512xf32, #tpu.memory_space<hbm>>) dst(%arg4 : memref<512xf32, #tpu.memory_space<vmem>>)
      tpu.yield
    }) : () -> ()
    %mul3A_1 = arith.constant 16 : i32
    %mul3A_2 = arith.muli %add3A, %mul3A_1 : i32
    %get3A = arith.index_cast %mul3A_2 : i32 to index
    %get3A_3 = tpu.vector_load %arg4[%get3A] {strides = array<i32>} : memref<512xf32, #tpu.memory_space<vmem>>, vector<16xf32>,
    %get3A_4 = vector.shape_cast %get3A_3 : vector<16xf32> to vector<16xf32>
    %broadcast_in_dim3A = arith.constant 0.000000e+00 : f32
    %broadcast_in_dim3A_5 = vector.broadcast %broadcast_in_dim3A : f32 to vector<16xf32>
    %scan3A = arith.constant 0 : i32
    %scan3A_6 = arith.constant 30 : i32
    %scan3A_7 = arith.addi %scan3A, %scan3A_6 : i32
    %scan3A_8 = arith.constant 5 : i32
    %scan3A_9 = scf.for %scan3A_17 = %scan3A to %scan3A_7 step %scan3A_8 iter_args(%scan3A_18 = %broadcast_in_dim3A_5) -> (vector<16xf32>)  : i32 {
      %mul3A_19 = arith.constant 16 : i32
      %mul3A_20 = arith.muli %scan3A_17, %mul3A_19 : i32
      %get3A_21 = arith.index_cast %mul3A_20 : i32 to index
      %get3A_22 = tpu.vector_load %arg4[%get3A_21] {strides = array<i32>} : memref<512xf32, #tpu.memory_space<vmem>>, vector<16xf32>,
      %get3A_23 = vector.shape_cast %get3A_22 : vector<16xf32> to vector<16xf32>
      %slice3A = vector.extract_strided_slice %get3A_23 {offsets = [0], sizes = [1], strides = [1]} : vector<16xf32> to vector<1xf32>
      %squeeze3A = vector.extract %slice3A[0] : f32 from vector<1xf32>
      %gt3A = vector.broadcast %squeeze3A : f32 to vector<16xf32>
      %gt3A_24 = arith.cmpf ogt, %gt3A, %get3A_4 : vector<16xf32>
      %jit3A_25 = arith.constant 1.000000e+00 : f32
      %jit3A_26 = arith.constant 0.000000e+00 : f32
      %broadcast_in_dim3A_27 = vector.broadcast %jit3A_25 : f32 to vector<16xf32>
      %broadcast_in_dim3A_28 = vector.broadcast %jit3A_26 : f32 to vector<16xf32>
      %select_n3A_29 = arith.select %gt3A_24, %broadcast_in_dim3A_27, %broadcast_in_dim3A_28 : vector<16xi1>, vector<16xf32>
      %add3A_30 = arith.addf %scan3A_18, %select_n3A_29 : vector<16xf32>
      %slice3A_31 = vector.extract_strided_slice %get3A_23 {offsets = [1], sizes = [1], strides = [1]} : vector<16xf32> to vector<1xf32>
      %squeeze3A_32 = vector.extract %slice3A_31[0] : f32 from vector<1xf32>
      %gt3A_33 = vector.broadcast %squeeze3A_32 : f32 to vector<16xf32>
      %gt3A_34 = arith.cmpf ogt, %gt3A_33, %get3A_4 : vector<16xf32>
      %jit3A_35 = arith.constant 1.000000e+00 : f32
      %jit3A_36 = arith.constant 0.000000e+00 : f32
      %broadcast_in_dim3A_37 = vector.broadcast %jit3A_35 : f32 to vector<16xf32>
      %broadcast_in_dim3A_38 = vector.broadcast %jit3A_36 : f32 to vector<16xf32>
      %select_n3A_39 = arith.select %gt3A_34, %broadcast_in_dim3A_37, %broadcast_in_dim3A_38 : vector<16xi1>, vector<16xf32>
      %add3A_40 = arith.addf %add3A_30, %select_n3A_39 : vector<16xf32>
      %slice3A_41 = vector.extract_strided_slice %get3A_23 {offsets = [2], sizes = [1], strides = [1]} : vector<16xf32> to vector<1xf32>
      %squeeze3A_42 = vector.extract %slice3A_41[0] : f32 from vector<1xf32>
      %gt3A_43 = vector.broadcast %squeeze3A_42 : f32 to vector<16xf32>
      %gt3A_44 = arith.cmpf ogt, %gt3A_43, %get3A_4 : vector<16xf32>
      %jit3A_45 = arith.constant 1.000000e+00 : f32
      %jit3A_46 = arith.constant 0.000000e+00 : f32
      %broadcast_in_dim3A_47 = vector.broadcast %jit3A_45 : f32 to vector<16xf32>
      %broadcast_in_dim3A_48 = vector.broadcast %jit3A_46 : f32 to vector<16xf32>
      %select_n3A_49 = arith.select %gt3A_44, %broadcast_in_dim3A_47, %broadcast_in_dim3A_48 : vector<16xi1>, vector<16xf32>
      %add3A_50 = arith.addf %add3A_40, %select_n3A_49 : vector<16xf32>
      %slice3A_51 = vector.extract_strided_slice %get3A_23 {offsets = [3], sizes = [1], strides = [1]} : vector<16xf32> to vector<1xf32>
      %squeeze3A_52 = vector.extract %slice3A_51[0] : f32 from vector<1xf32>
      %gt3A_53 = vector.broadcast %squeeze3A_52 : f32 to vector<16xf32>
      %gt3A_54 = arith.cmpf ogt, %gt3A_53, %get3A_4 : vector<16xf32>
      %jit3A_55 = arith.constant 1.000000e+00 : f32
      %jit3A_56 = arith.constant 0.000000e+00 : f32
      %broadcast_in_dim3A_57 = vector.broadcast %jit3A_55 : f32 to vector<16xf32>
      %broadcast_in_dim3A_58 = vector.broadcast %jit3A_56 : f32 to vector<16xf32>
      %select_n3A_59 = arith.select %gt3A_54, %broadcast_in_dim3A_57, %broadcast_in_dim3A_58 : vector<16xi1>, vector<16xf32>
      %add3A_60 = arith.addf %add3A_50, %select_n3A_59 : vector<16xf32>
      %slice3A_61 = vector.extract_strided_slice %get3A_23 {offsets = [4], sizes = [1], strides = [1]} : vector<16xf32> to vector<1xf32>
      %squeeze3A_62 = vector.extract %slice3A_61[0] : f32 from vector<1xf32>
      %gt3A_63 = vector.broadcast %squeeze3A_62 : f32 to vector<16xf32>
      %gt3A_64 = arith.cmpf ogt, %gt3A_63, %get3A_4 : vector<16xf32>
      %jit3A_65 = arith.constant 1.000000e+00 : f32
      %jit3A_66 = arith.constant 0.000000e+00 : f32
      %broadcast_in_dim3A_67 = vector.broadcast %jit3A_65 : f32 to vector<16xf32>
      %broadcast_in_dim3A_68 = vector.broadcast %jit3A_66 : f32 to vector<16xf32>
      %select_n3A_69 = arith.select %gt3A_64, %broadcast_in_dim3A_67, %broadcast_in_dim3A_68 : vector<16xi1>, vector<16xf32>
      %add3A_70 = arith.addf %add3A_60, %select_n3A_69 : vector<16xf32>
      %slice3A_71 = vector.extract_strided_slice %get3A_23 {offsets = [5], sizes = [1], strides = [1]} : vector<16xf32> to vector<1xf32>
      %squeeze3A_72 = vector.extract %slice3A_71[0] : f32 from vector<1xf32>
      %gt3A_73 = vector.broadcast %squeeze3A_72 : f32 to vector<16xf32>
      %gt3A_74 = arith.cmpf ogt, %gt3A_73, %get3A_4 : vector<16xf32>
      %jit3A_75 = arith.constant 1.000000e+00 : f32
      %jit3A_76 = arith.constant 0.000000e+00 : f32
      %broadcast_in_dim3A_77 = vector.broadcast %jit3A_75 : f32 to vector<16xf32>
      %broadcast_in_dim3A_78 = vector.broadcast %jit3A_76 : f32 to vector<16xf32>
      %select_n3A_79 = arith.select %gt3A_74, %broadcast_in_dim3A_77, %broadcast_in_dim3A_78 : vector<16xi1>, vector<16xf32>
      %add3A_80 = arith.addf %add3A_70, %select_n3A_79 : vector<16xf32>
      %slice3A_81 = vector.extract_strided_slice %get3A_23 {offsets = [6], sizes = [1], strides = [1]} : vector<16xf32> to vector<1xf32>
      %squeeze3A_82 = vector.extract %slice3A_81[0] : f32 from vector<1xf32>
      %gt3A_83 = vector.broadcast %squeeze3A_82 : f32 to vector<16xf32>
      %gt3A_84 = arith.cmpf ogt, %gt3A_83, %get3A_4 : vector<16xf32>
      %jit3A_85 = arith.constant 1.000000e+00 : f32
      %jit3A_86 = arith.constant 0.000000e+00 : f32
      %broadcast_in_dim3A_87 = vector.broadcast %jit3A_85 : f32 to vector<16xf32>
      %broadcast_in_dim3A_88 = vector.broadcast %jit3A_86 : f32 to vector<16xf32>
      %select_n3A_89 = arith.select %gt3A_84, %broadcast_in_dim3A_87, %broadcast_in_dim3A_88 : vector<16xi1>, vector<16xf32>
      %add3A_90 = arith.addf %add3A_80, %select_n3A_89 : vector<16xf32>
      %slice3A_91 = vector.extract_strided_slice %get3A_23 {offsets = [7], sizes = [1], strides = [1]} : vector<16xf32> to vector<1xf32>
      %squeeze3A_92 = vector.extract %slice3A_91[0] : f32 from vector<1xf32>
      %gt3A_93 = vector.broadcast %squeeze3A_92 : f32 to vector<16xf32>
      %gt3A_94 = arith.cmpf ogt, %gt3A_93, %get3A_4 : vector<16xf32>
      %jit3A_95 = arith.constant 1.000000e+00 : f32
      %jit3A_96 = arith.constant 0.000000e+00 : f32
      %broadcast_in_dim3A_97 = vector.broadcast %jit3A_95 : f32 to vector<16xf32>
      %broadcast_in_dim3A_98 = vector.broadcast %jit3A_96 : f32 to vector<16xf32>
      %select_n3A_99 = arith.select %gt3A_94, %broadcast_in_dim3A_97, %broadcast_in_dim3A_98 : vector<16xi1>, vector<16xf32>
      %add3A_100 = arith.addf %add3A_90, %select_n3A_99 : vector<16xf32>
      %slice3A_101 = vector.extract_strided_slice %get3A_23 {offsets = [8], sizes = [1], strides = [1]} : vector<16xf32> to vector<1xf32>
      %squeeze3A_102 = vector.extract %slice3A_101[0] : f32 from vector<1xf32>
      %gt3A_103 = vector.broadcast %squeeze3A_102 : f32 to vector<16xf32>
      %gt3A_104 = arith.cmpf ogt, %gt3A_103, %get3A_4 : vector<16xf32>
      %jit3A_105 = arith.constant 1.000000e+00 : f32
      %jit3A_106 = arith.constant 0.000000e+00 : f32
      %broadcast_in_dim3A_107 = vector.broadcast %jit3A_105 : f32 to vector<16xf32>
      %broadcast_in_dim3A_108 = vector.broadcast %jit3A_106 : f32 to vector<16xf32>
      %select_n3A_109 = arith.select %gt3A_104, %broadcast_in_dim3A_107, %broadcast_in_dim3A_108 : vector<16xi1>, vector<16xf32>
      %add3A_110 = arith.addf %add3A_100, %select_n3A_109 : vector<16xf32>
      %slice3A_111 = vector.extract_strided_slice %get3A_23 {offsets = [9], sizes = [1], strides = [1]} : vector<16xf32> to vector<1xf32>
      %squeeze3A_112 = vector.extract %slice3A_111[0] : f32 from vector<1xf32>
      %gt3A_113 = vector.broadcast %squeeze3A_112 : f32 to vector<16xf32>
      %gt3A_114 = arith.cmpf ogt, %gt3A_113, %get3A_4 : vector<16xf32>
      %jit3A_115 = arith.constant 1.000000e+00 : f32
      %jit3A_116 = arith.constant 0.000000e+00 : f32
      %broadcast_in_dim3A_117 = vector.broadcast %jit3A_115 : f32 to vector<16xf32>
      %broadcast_in_dim3A_118 = vector.broadcast %jit3A_116 : f32 to vector<16xf32>
      %select_n3A_119 = arith.select %gt3A_114, %broadcast_in_dim3A_117, %broadcast_in_dim3A_118 : vector<16xi1>, vector<16xf32>
      %add3A_120 = arith.addf %add3A_110, %select_n3A_119 : vector<16xf32>
      %slice3A_121 = vector.extract_strided_slice %get3A_23 {offsets = [10], sizes = [1], strides = [1]} : vector<16xf32> to vector<1xf32>
      %squeeze3A_122 = vector.extract %slice3A_121[0] : f32 from vector<1xf32>
      %gt3A_123 = vector.broadcast %squeeze3A_122 : f32 to vector<16xf32>
      %gt3A_124 = arith.cmpf ogt, %gt3A_123, %get3A_4 : vector<16xf32>
      %jit3A_125 = arith.constant 1.000000e+00 : f32
      %jit3A_126 = arith.constant 0.000000e+00 : f32
      %broadcast_in_dim3A_127 = vector.broadcast %jit3A_125 : f32 to vector<16xf32>
      %broadcast_in_dim3A_128 = vector.broadcast %jit3A_126 : f32 to vector<16xf32>
      %select_n3A_129 = arith.select %gt3A_124, %broadcast_in_dim3A_127, %broadcast_in_dim3A_128 : vector<16xi1>, vector<16xf32>
      %add3A_130 = arith.addf %add3A_120, %select_n3A_129 : vector<16xf32>
      %slice3A_131 = vector.extract_strided_slice %get3A_23 {offsets = [11], sizes = [1], strides = [1]} : vector<16xf32> to vector<1xf32>
      %squeeze3A_132 = vector.extract %slice3A_131[0] : f32 from vector<1xf32>
      %gt3A_133 = vector.broadcast %squeeze3A_132 : f32 to vector<16xf32>
      %gt3A_134 = arith.cmpf ogt, %gt3A_133, %get3A_4 : vector<16xf32>
      %jit3A_135 = arith.constant 1.000000e+00 : f32
      %jit3A_136 = arith.constant 0.000000e+00 : f32
      %broadcast_in_dim3A_137 = vector.broadcast %jit3A_135 : f32 to vector<16xf32>
      %broadcast_in_dim3A_138 = vector.broadcast %jit3A_136 : f32 to vector<16xf32>
      %select_n3A_139 = arith.select %gt3A_134, %broadcast_in_dim3A_137, %broadcast_in_dim3A_138 : vector<16xi1>, vector<16xf32>
      %add3A_140 = arith.addf %add3A_130, %select_n3A_139 : vector<16xf32>
      %slice3A_141 = vector.extract_strided_slice %get3A_23 {offsets = [12], sizes = [1], strides = [1]} : vector<16xf32> to vector<1xf32>
      %squeeze3A_142 = vector.extract %slice3A_141[0] : f32 from vector<1xf32>
      %gt3A_143 = vector.broadcast %squeeze3A_142 : f32 to vector<16xf32>
      %gt3A_144 = arith.cmpf ogt, %gt3A_143, %get3A_4 : vector<16xf32>
      %jit3A_145 = arith.constant 1.000000e+00 : f32
      %jit3A_146 = arith.constant 0.000000e+00 : f32
      %broadcast_in_dim3A_147 = vector.broadcast %jit3A_145 : f32 to vector<16xf32>
      %broadcast_in_dim3A_148 = vector.broadcast %jit3A_146 : f32 to vector<16xf32>
      %select_n3A_149 = arith.select %gt3A_144, %broadcast_in_dim3A_147, %broadcast_in_dim3A_148 : vector<16xi1>, vector<16xf32>
      %add3A_150 = arith.addf %add3A_140, %select_n3A_149 : vector<16xf32>
      %slice3A_151 = vector.extract_strided_slice %get3A_23 {offsets = [13], sizes = [1], strides = [1]} : vector<16xf32> to vector<1xf32>
      %squeeze3A_152 = vector.extract %slice3A_151[0] : f32 from vector<1xf32>
      %gt3A_153 = vector.broadcast %squeeze3A_152 : f32 to vector<16xf32>
      %gt3A_154 = arith.cmpf ogt, %gt3A_153, %get3A_4 : vector<16xf32>
      %jit3A_155 = arith.constant 1.000000e+00 : f32
      %jit3A_156 = arith.constant 0.000000e+00 : f32
      %broadcast_in_dim3A_157 = vector.broadcast %jit3A_155 : f32 to vector<16xf32>
      %broadcast_in_dim3A_158 = vector.broadcast %jit3A_156 : f32 to vector<16xf32>
      %select_n3A_159 = arith.select %gt3A_154, %broadcast_in_dim3A_157, %broadcast_in_dim3A_158 : vector<16xi1>, vector<16xf32>
      %add3A_160 = arith.addf %add3A_150, %select_n3A_159 : vector<16xf32>
      %slice3A_161 = vector.extract_strided_slice %get3A_23 {offsets = [14], sizes = [1], strides = [1]} : vector<16xf32> to vector<1xf32>
      %squeeze3A_162 = vector.extract %slice3A_161[0] : f32 from vector<1xf32>
      %gt3A_163 = vector.broadcast %squeeze3A_162 : f32 to vector<16xf32>
      %gt3A_164 = arith.cmpf ogt, %gt3A_163, %get3A_4 : vector<16xf32>
      %jit3A_165 = arith.constant 1.000000e+00 : f32
      %jit3A_166 = arith.constant 0.000000e+00 : f32
      %broadcast_in_dim3A_167 = vector.broadcast %jit3A_165 : f32 to vector<16xf32>
      %broadcast_in_dim3A_168 = vector.broadcast %jit3A_166 : f32 to vector<16xf32>
      %select_n3A_169 = arith.select %gt3A_164, %broadcast_in_dim3A_167, %broadcast_in_dim3A_168 : vector<16xi1>, vector<16xf32>
      %add3A_170 = arith.addf %add3A_160, %select_n3A_169 : vector<16xf32>
      %slice3A_171 = vector.extract_strided_slice %get3A_23 {offsets = [15], sizes = [1], strides = [1]} : vector<16xf32> to vector<1xf32>
      %squeeze3A_172 = vector.extract %slice3A_171[0] : f32 from vector<1xf32>
      %gt3A_173 = vector.broadcast %squeeze3A_172 : f32 to vector<16xf32>
      %gt3A_174 = arith.cmpf ogt, %gt3A_173, %get3A_4 : vector<16xf32>
      %jit3A_175 = arith.constant 1.000000e+00 : f32
      %jit3A_176 = arith.constant 0.000000e+00 : f32
      %broadcast_in_dim3A_177 = vector.broadcast %jit3A_175 : f32 to vector<16xf32>
      %broadcast_in_dim3A_178 = vector.broadcast %jit3A_176 : f32 to vector<16xf32>
      %select_n3A_179 = arith.select %gt3A_174, %broadcast_in_dim3A_177, %broadcast_in_dim3A_178 : vector<16xi1>, vector<16xf32>
      %add3A_180 = arith.addf %add3A_170, %select_n3A_179 : vector<16xf32>
      %scan3A_181 = arith.constant 1 : i32
      %scan3A_182 = arith.addi %scan3A_17, %scan3A_181 : i32
      %mul3A_183 = arith.constant 16 : i32
      %mul3A_184 = arith.muli %scan3A_182, %mul3A_183 : i32
      %get3A_185 = arith.index_cast %mul3A_184 : i32 to index
      %get3A_186 = tpu.vector_load %arg4[%get3A_185] {strides = array<i32>} : memref<512xf32, #tpu.memory_space<vmem>>, vector<16xf32>,
      %get3A_187 = vector.shape_cast %get3A_186 : vector<16xf32> to vector<16xf32>
      %slice3A_188 = vector.extract_strided_slice %get3A_187 {offsets = [0], sizes = [1], strides = [1]} : vector<16xf32> to vector<1xf32>
      %squeeze3A_189 = vector.extract %slice3A_188[0] : f32 from vector<1xf32>
      %gt3A_190 = vector.broadcast %squeeze3A_189 : f32 to vector<16xf32>
      %gt3A_191 = arith.cmpf ogt, %gt3A_190, %get3A_4 : vector<16xf32>
      %jit3A_192 = arith.constant 1.000000e+00 : f32
      %jit3A_193 = arith.constant 0.000000e+00 : f32
      %broadcast_in_dim3A_194 = vector.broadcast %jit3A_192 : f32 to vector<16xf32>
      %broadcast_in_dim3A_195 = vector.broadcast %jit3A_193 : f32 to vector<16xf32>
      %select_n3A_196 = arith.select %gt3A_191, %broadcast_in_dim3A_194, %broadcast_in_dim3A_195 : vector<16xi1>, vector<16xf32>
      %add3A_197 = arith.addf %add3A_180, %select_n3A_196 : vector<16xf32>
      %slice3A_198 = vector.extract_strided_slice %get3A_187 {offsets = [1], sizes = [1], strides = [1]} : vector<16xf32> to vector<1xf32>
      %squeeze3A_199 = vector.extract %slice3A_198[0] : f32 from vector<1xf32>
      %gt3A_200 = vector.broadcast %squeeze3A_199 : f32 to vector<16xf32>
      %gt3A_201 = arith.cmpf ogt, %gt3A_200, %get3A_4 : vector<16xf32>
      %jit3A_202 = arith.constant 1.000000e+00 : f32
      %jit3A_203 = arith.constant 0.000000e+00 : f32
      %broadcast_in_dim3A_204 = vector.broadcast %jit3A_202 : f32 to vector<16xf32>
      %broadcast_in_dim3A_205 = vector.broadcast %jit3A_203 : f32 to vector<16xf32>
      %select_n3A_206 = arith.select %gt3A_201, %broadcast_in_dim3A_204, %broadcast_in_dim3A_205 : vector<16xi1>, vector<16xf32>
      %add3A_207 = arith.addf %add3A_197, %select_n3A_206 : vector<16xf32>
      %slice3A_208 = vector.extract_strided_slice %get3A_187 {offsets = [2], sizes = [1], strides = [1]} : vector<16xf32> to vector<1xf32>
      %squeeze3A_209 = vector.extract %slice3A_208[0] : f32 from vector<1xf32>
      %gt3A_210 = vector.broadcast %squeeze3A_209 : f32 to vector<16xf32>
      %gt3A_211 = arith.cmpf ogt, %gt3A_210, %get3A_4 : vector<16xf32>
      %jit3A_212 = arith.constant 1.000000e+00 : f32
      %jit3A_213 = arith.constant 0.000000e+00 : f32
      %broadcast_in_dim3A_214 = vector.broadcast %jit3A_212 : f32 to vector<16xf32>
      %broadcast_in_dim3A_215 = vector.broadcast %jit3A_213 : f32 to vector<16xf32>
      %select_n3A_216 = arith.select %gt3A_211, %broadcast_in_dim3A_214, %broadcast_in_dim3A_215 : vector<16xi1>, vector<16xf32>
      %add3A_217 = arith.addf %add3A_207, %select_n3A_216 : vector<16xf32>
      %slice3A_218 = vector.extract_strided_slice %get3A_187 {offsets = [3], sizes = [1], strides = [1]} : vector<16xf32> to vector<1xf32>
      %squeeze3A_219 = vector.extract %slice3A_218[0] : f32 from vector<1xf32>
      %gt3A_220 = vector.broadcast %squeeze3A_219 : f32 to vector<16xf32>
      %gt3A_221 = arith.cmpf ogt, %gt3A_220, %get3A_4 : vector<16xf32>
      %jit3A_222 = arith.constant 1.000000e+00 : f32
      %jit3A_223 = arith.constant 0.000000e+00 : f32
      %broadcast_in_dim3A_224 = vector.broadcast %jit3A_222 : f32 to vector<16xf32>
      %broadcast_in_dim3A_225 = vector.broadcast %jit3A_223 : f32 to vector<16xf32>
      %select_n3A_226 = arith.select %gt3A_221, %broadcast_in_dim3A_224, %broadcast_in_dim3A_225 : vector<16xi1>, vector<16xf32>
      %add3A_227 = arith.addf %add3A_217, %select_n3A_226 : vector<16xf32>
      %slice3A_228 = vector.extract_strided_slice %get3A_187 {offsets = [4], sizes = [1], strides = [1]} : vector<16xf32> to vector<1xf32>
      %squeeze3A_229 = vector.extract %slice3A_228[0] : f32 from vector<1xf32>
      %gt3A_230 = vector.broadcast %squeeze3A_229 : f32 to vector<16xf32>
      %gt3A_231 = arith.cmpf ogt, %gt3A_230, %get3A_4 : vector<16xf32>
      %jit3A_232 = arith.constant 1.000000e+00 : f32
      %jit3A_233 = arith.constant 0.000000e+00 : f32
      %broadcast_in_dim3A_234 = vector.broadcast %jit3A_232 : f32 to vector<16xf32>
      %broadcast_in_dim3A_235 = vector.broadcast %jit3A_233 : f32 to vector<16xf32>
      %select_n3A_236 = arith.select %gt3A_231, %broadcast_in_dim3A_234, %broadcast_in_dim3A_235 : vector<16xi1>, vector<16xf32>
      %add3A_237 = arith.addf %add3A_227, %select_n3A_236 : vector<16xf32>
      %slice3A_238 = vector.extract_strided_slice %get3A_187 {offsets = [5], sizes = [1], strides = [1]} : vector<16xf32> to vector<1xf32>
      %squeeze3A_239 = vector.extract %slice3A_238[0] : f32 from vector<1xf32>
      %gt3A_240 = vector.broadcast %squeeze3A_239 : f32 to vector<16xf32>
      %gt3A_241 = arith.cmpf ogt, %gt3A_240, %get3A_4 : vector<16xf32>
      %jit3A_242 = arith.constant 1.000000e+00 : f32
      %jit3A_243 = arith.constant 0.000000e+00 : f32
      %broadcast_in_dim3A_244 = vector.broadcast %jit3A_242 : f32 to vector<16xf32>
      %broadcast_in_dim3A_245 = vector.broadcast %jit3A_243 : f32 to vector<16xf32>
      %select_n3A_246 = arith.select %gt3A_241, %broadcast_in_dim3A_244, %broadcast_in_dim3A_245 : vector<16xi1>, vector<16xf32>
      %add3A_247 = arith.addf %add3A_237, %select_n3A_246 : vector<16xf32>
      %slice3A_248 = vector.extract_strided_slice %get3A_187 {offsets = [6], sizes = [1], strides = [1]} : vector<16xf32> to vector<1xf32>
      %squeeze3A_249 = vector.extract %slice3A_248[0] : f32 from vector<1xf32>
      %gt3A_250 = vector.broadcast %squeeze3A_249 : f32 to vector<16xf32>
      %gt3A_251 = arith.cmpf ogt, %gt3A_250, %get3A_4 : vector<16xf32>
      %jit3A_252 = arith.constant 1.000000e+00 : f32
      %jit3A_253 = arith.constant 0.000000e+00 : f32
      %broadcast_in_dim3A_254 = vector.broadcast %jit3A_252 : f32 to vector<16xf32>
      %broadcast_in_dim3A_255 = vector.broadcast %jit3A_253 : f32 to vector<16xf32>
      %select_n3A_256 = arith.select %gt3A_251, %broadcast_in_dim3A_254, %broadcast_in_dim3A_255 : vector<16xi1>, vector<16xf32>
      %add3A_257 = arith.addf %add3A_247, %select_n3A_256 : vector<16xf32>
      %slice3A_258 = vector.extract_strided_slice %get3A_187 {offsets = [7], sizes = [1], strides = [1]} : vector<16xf32> to vector<1xf32>
      %squeeze3A_259 = vector.extract %slice3A_258[0] : f32 from vector<1xf32>
      %gt3A_260 = vector.broadcast %squeeze3A_259 : f32 to vector<16xf32>
      %gt3A_261 = arith.cmpf ogt, %gt3A_260, %get3A_4 : vector<16xf32>
      %jit3A_262 = arith.constant 1.000000e+00 : f32
      %jit3A_263 = arith.constant 0.000000e+00 : f32
      %broadcast_in_dim3A_264 = vector.broadcast %jit3A_262 : f32 to vector<16xf32>
      %broadcast_in_dim3A_265 = vector.broadcast %jit3A_263 : f32 to vector<16xf32>
      %select_n3A_266 = arith.select %gt3A_261, %broadcast_in_dim3A_264, %broadcast_in_dim3A_265 : vector<16xi1>, vector<16xf32>
      %add3A_267 = arith.addf %add3A_257, %select_n3A_266 : vector<16xf32>
      %slice3A_268 = vector.extract_strided_slice %get3A_187 {offsets = [8], sizes = [1], strides = [1]} : vector<16xf32> to vector<1xf32>
      %squeeze3A_269 = vector.extract %slice3A_268[0] : f32 from vector<1xf32>
      %gt3A_270 = vector.broadcast %squeeze3A_269 : f32 to vector<16xf32>
      %gt3A_271 = arith.cmpf ogt, %gt3A_270, %get3A_4 : vector<16xf32>
      %jit3A_272 = arith.constant 1.000000e+00 : f32
      %jit3A_273 = arith.constant 0.000000e+00 : f32
      %broadcast_in_dim3A_274 = vector.broadcast %jit3A_272 : f32 to vector<16xf32>
      %broadcast_in_dim3A_275 = vector.broadcast %jit3A_273 : f32 to vector<16xf32>
      %select_n3A_276 = arith.select %gt3A_271, %broadcast_in_dim3A_274, %broadcast_in_dim3A_275 : vector<16xi1>, vector<16xf32>
      %add3A_277 = arith.addf %add3A_267, %select_n3A_276 : vector<16xf32>
      %slice3A_278 = vector.extract_strided_slice %get3A_187 {offsets = [9], sizes = [1], strides = [1]} : vector<16xf32> to vector<1xf32>
      %squeeze3A_279 = vector.extract %slice3A_278[0] : f32 from vector<1xf32>
      %gt3A_280 = vector.broadcast %squeeze3A_279 : f32 to vector<16xf32>
      %gt3A_281 = arith.cmpf ogt, %gt3A_280, %get3A_4 : vector<16xf32>
      %jit3A_282 = arith.constant 1.000000e+00 : f32
      %jit3A_283 = arith.constant 0.000000e+00 : f32
      %broadcast_in_dim3A_284 = vector.broadcast %jit3A_282 : f32 to vector<16xf32>
      %broadcast_in_dim3A_285 = vector.broadcast %jit3A_283 : f32 to vector<16xf32>
      %select_n3A_286 = arith.select %gt3A_281, %broadcast_in_dim3A_284, %broadcast_in_dim3A_285 : vector<16xi1>, vector<16xf32>
      %add3A_287 = arith.addf %add3A_277, %select_n3A_286 : vector<16xf32>
      %slice3A_288 = vector.extract_strided_slice %get3A_187 {offsets = [10], sizes = [1], strides = [1]} : vector<16xf32> to vector<1xf32>
      %squeeze3A_289 = vector.extract %slice3A_288[0] : f32 from vector<1xf32>
      %gt3A_290 = vector.broadcast %squeeze3A_289 : f32 to vector<16xf32>
      %gt3A_291 = arith.cmpf ogt, %gt3A_290, %get3A_4 : vector<16xf32>
      %jit3A_292 = arith.constant 1.000000e+00 : f32
      %jit3A_293 = arith.constant 0.000000e+00 : f32
      %broadcast_in_dim3A_294 = vector.broadcast %jit3A_292 : f32 to vector<16xf32>
      %broadcast_in_dim3A_295 = vector.broadcast %jit3A_293 : f32 to vector<16xf32>
      %select_n3A_296 = arith.select %gt3A_291, %broadcast_in_dim3A_294, %broadcast_in_dim3A_295 : vector<16xi1>, vector<16xf32>
      %add3A_297 = arith.addf %add3A_287, %select_n3A_296 : vector<16xf32>
      %slice3A_298 = vector.extract_strided_slice %get3A_187 {offsets = [11], sizes = [1], strides = [1]} : vector<16xf32> to vector<1xf32>
      %squeeze3A_299 = vector.extract %slice3A_298[0] : f32 from vector<1xf32>
      %gt3A_300 = vector.broadcast %squeeze3A_299 : f32 to vector<16xf32>
      %gt3A_301 = arith.cmpf ogt, %gt3A_300, %get3A_4 : vector<16xf32>
      %jit3A_302 = arith.constant 1.000000e+00 : f32
      %jit3A_303 = arith.constant 0.000000e+00 : f32
      %broadcast_in_dim3A_304 = vector.broadcast %jit3A_302 : f32 to vector<16xf32>
      %broadcast_in_dim3A_305 = vector.broadcast %jit3A_303 : f32 to vector<16xf32>
      %select_n3A_306 = arith.select %gt3A_301, %broadcast_in_dim3A_304, %broadcast_in_dim3A_305 : vector<16xi1>, vector<16xf32>
      %add3A_307 = arith.addf %add3A_297, %select_n3A_306 : vector<16xf32>
      %slice3A_308 = vector.extract_strided_slice %get3A_187 {offsets = [12], sizes = [1], strides = [1]} : vector<16xf32> to vector<1xf32>
      %squeeze3A_309 = vector.extract %slice3A_308[0] : f32 from vector<1xf32>
      %gt3A_310 = vector.broadcast %squeeze3A_309 : f32 to vector<16xf32>
      %gt3A_311 = arith.cmpf ogt, %gt3A_310, %get3A_4 : vector<16xf32>
      %jit3A_312 = arith.constant 1.000000e+00 : f32
      %jit3A_313 = arith.constant 0.000000e+00 : f32
      %broadcast_in_dim3A_314 = vector.broadcast %jit3A_312 : f32 to vector<16xf32>
      %broadcast_in_dim3A_315 = vector.broadcast %jit3A_313 : f32 to vector<16xf32>
      %select_n3A_316 = arith.select %gt3A_311, %broadcast_in_dim3A_314, %broadcast_in_dim3A_315 : vector<16xi1>, vector<16xf32>
      %add3A_317 = arith.addf %add3A_307, %select_n3A_316 : vector<16xf32>
      %slice3A_318 = vector.extract_strided_slice %get3A_187 {offsets = [13], sizes = [1], strides = [1]} : vector<16xf32> to vector<1xf32>
      %squeeze3A_319 = vector.extract %slice3A_318[0] : f32 from vector<1xf32>
      %gt3A_320 = vector.broadcast %squeeze3A_319 : f32 to vector<16xf32>
      %gt3A_321 = arith.cmpf ogt, %gt3A_320, %get3A_4 : vector<16xf32>
      %jit3A_322 = arith.constant 1.000000e+00 : f32
      %jit3A_323 = arith.constant 0.000000e+00 : f32
      %broadcast_in_dim3A_324 = vector.broadcast %jit3A_322 : f32 to vector<16xf32>
      %broadcast_in_dim3A_325 = vector.broadcast %jit3A_323 : f32 to vector<16xf32>
      %select_n3A_326 = arith.select %gt3A_321, %broadcast_in_dim3A_324, %broadcast_in_dim3A_325 : vector<16xi1>, vector<16xf32>
      %add3A_327 = arith.addf %add3A_317, %select_n3A_326 : vector<16xf32>
      %slice3A_328 = vector.extract_strided_slice %get3A_187 {offsets = [14], sizes = [1], strides = [1]} : vector<16xf32> to vector<1xf32>
      %squeeze3A_329 = vector.extract %slice3A_328[0] : f32 from vector<1xf32>
      %gt3A_330 = vector.broadcast %squeeze3A_329 : f32 to vector<16xf32>
      %gt3A_331 = arith.cmpf ogt, %gt3A_330, %get3A_4 : vector<16xf32>
      %jit3A_332 = arith.constant 1.000000e+00 : f32
      %jit3A_333 = arith.constant 0.000000e+00 : f32
      %broadcast_in_dim3A_334 = vector.broadcast %jit3A_332 : f32 to vector<16xf32>
      %broadcast_in_dim3A_335 = vector.broadcast %jit3A_333 : f32 to vector<16xf32>
      %select_n3A_336 = arith.select %gt3A_331, %broadcast_in_dim3A_334, %broadcast_in_dim3A_335 : vector<16xi1>, vector<16xf32>
      %add3A_337 = arith.addf %add3A_327, %select_n3A_336 : vector<16xf32>
      %slice3A_338 = vector.extract_strided_slice %get3A_187 {offsets = [15], sizes = [1], strides = [1]} : vector<16xf32> to vector<1xf32>
      %squeeze3A_339 = vector.extract %slice3A_338[0] : f32 from vector<1xf32>
      %gt3A_340 = vector.broadcast %squeeze3A_339 : f32 to vector<16xf32>
      %gt3A_341 = arith.cmpf ogt, %gt3A_340, %get3A_4 : vector<16xf32>
      %jit3A_342 = arith.constant 1.000000e+00 : f32
      %jit3A_343 = arith.constant 0.000000e+00 : f32
      %broadcast_in_dim3A_344 = vector.broadcast %jit3A_342 : f32 to vector<16xf32>
      %broadcast_in_dim3A_345 = vector.broadcast %jit3A_343 : f32 to vector<16xf32>
      %select_n3A_346 = arith.select %gt3A_341, %broadcast_in_dim3A_344, %broadcast_in_dim3A_345 : vector<16xi1>, vector<16xf32>
      %add3A_347 = arith.addf %add3A_337, %select_n3A_346 : vector<16xf32>
      %scan3A_348 = arith.constant 2 : i32
      %scan3A_349 = arith.addi %scan3A_17, %scan3A_348 : i32
      %mul3A_350 = arith.constant 16 : i32
      %mul3A_351 = arith.muli %scan3A_349, %mul3A_350 : i32
      %get3A_352 = arith.index_cast %mul3A_351 : i32 to index
      %get3A_353 = tpu.vector_load %arg4[%get3A_352] {strides = array<i32>} : memref<512xf32, #tpu.memory_space<vmem>>, vector<16xf32>,
      %get3A_354 = vector.shape_cast %get3A_353 : vector<16xf32> to vector<16xf32>
      %slice3A_355 = vector.extract_strided_slice %get3A_354 {offsets = [0], sizes = [1], strides = [1]} : vector<16xf32> to vector<1xf32>
      %squeeze3A_356 = vector.extract %slice3A_355[0] : f32 from vector<1xf32>
      %gt3A_357 = vector.broadcast %squeeze3A_356 : f32 to vector<16xf32>
      %gt3A_358 = arith.cmpf ogt, %gt3A_357, %get3A_4 : vector<16xf32>
      %jit3A_359 = arith.constant 1.000000e+00 : f32
      %jit3A_360 = arith.constant 0.000000e+00 : f32
      %broadcast_in_dim3A_361 = vector.broadcast %jit3A_359 : f32 to vector<16xf32>
      %broadcast_in_dim3A_362 = vector.broadcast %jit3A_360 : f32 to vector<16xf32>
      %select_n3A_363 = arith.select %gt3A_358, %broadcast_in_dim3A_361, %broadcast_in_dim3A_362 : vector<16xi1>, vector<16xf32>
      %add3A_364 = arith.addf %add3A_347, %select_n3A_363 : vector<16xf32>
      %slice3A_365 = vector.extract_strided_slice %get3A_354 {offsets = [1], sizes = [1], strides = [1]} : vector<16xf32> to vector<1xf32>
      %squeeze3A_366 = vector.extract %slice3A_365[0] : f32 from vector<1xf32>
      %gt3A_367 = vector.broadcast %squeeze3A_366 : f32 to vector<16xf32>
      %gt3A_368 = arith.cmpf ogt, %gt3A_367, %get3A_4 : vector<16xf32>
      %jit3A_369 = arith.constant 1.000000e+00 : f32
      %jit3A_370 = arith.constant 0.000000e+00 : f32
      %broadcast_in_dim3A_371 = vector.broadcast %jit3A_369 : f32 to vector<16xf32>
      %broadcast_in_dim3A_372 = vector.broadcast %jit3A_370 : f32 to vector<16xf32>
      %select_n3A_373 = arith.select %gt3A_368, %broadcast_in_dim3A_371, %broadcast_in_dim3A_372 : vector<16xi1>, vector<16xf32>
      %add3A_374 = arith.addf %add3A_364, %select_n3A_373 : vector<16xf32>
      %slice3A_375 = vector.extract_strided_slice %get3A_354 {offsets = [2], sizes = [1], strides = [1]} : vector<16xf32> to vector<1xf32>
      %squeeze3A_376 = vector.extract %slice3A_375[0] : f32 from vector<1xf32>
      %gt3A_377 = vector.broadcast %squeeze3A_376 : f32 to vector<16xf32>
      %gt3A_378 = arith.cmpf ogt, %gt3A_377, %get3A_4 : vector<16xf32>
      %jit3A_379 = arith.constant 1.000000e+00 : f32
      %jit3A_380 = arith.constant 0.000000e+00 : f32
      %broadcast_in_dim3A_381 = vector.broadcast %jit3A_379 : f32 to vector<16xf32>
      %broadcast_in_dim3A_382 = vector.broadcast %jit3A_380 : f32 to vector<16xf32>
      %select_n3A_383 = arith.select %gt3A_378, %broadcast_in_dim3A_381, %broadcast_in_dim3A_382 : vector<16xi1>, vector<16xf32>
      %add3A_384 = arith.addf %add3A_374, %select_n3A_383 : vector<16xf32>
      %slice3A_385 = vector.extract_strided_slice %get3A_354 {offsets = [3], sizes = [1], strides = [1]} : vector<16xf32> to vector<1xf32>
      %squeeze3A_386 = vector.extract %slice3A_385[0] : f32 from vector<1xf32>
      %gt3A_387 = vector.broadcast %squeeze3A_386 : f32 to vector<16xf32>
      %gt3A_388 = arith.cmpf ogt, %gt3A_387, %get3A_4 : vector<16xf32>
      %jit3A_389 = arith.constant 1.000000e+00 : f32
      %jit3A_390 = arith.constant 0.000000e+00 : f32
      %broadcast_in_dim3A_391 = vector.broadcast %jit3A_389 : f32 to vector<16xf32>
      %broadcast_in_dim3A_392 = vector.broadcast %jit3A_390 : f32 to vector<16xf32>
      %select_n3A_393 = arith.select %gt3A_388, %broadcast_in_dim3A_391, %broadcast_in_dim3A_392 : vector<16xi1>, vector<16xf32>
      %add3A_394 = arith.addf %add3A_384, %select_n3A_393 : vector<16xf32>
      %slice3A_395 = vector.extract_strided_slice %get3A_354 {offsets = [4], sizes = [1], strides = [1]} : vector<16xf32> to vector<1xf32>
      %squeeze3A_396 = vector.extract %slice3A_395[0] : f32 from vector<1xf32>
      %gt3A_397 = vector.broadcast %squeeze3A_396 : f32 to vector<16xf32>
      %gt3A_398 = arith.cmpf ogt, %gt3A_397, %get3A_4 : vector<16xf32>
      %jit3A_399 = arith.constant 1.000000e+00 : f32
      %jit3A_400 = arith.constant 0.000000e+00 : f32
      %broadcast_in_dim3A_401 = vector.broadcast %jit3A_399 : f32 to vector<16xf32>
      %broadcast_in_dim3A_402 = vector.broadcast %jit3A_400 : f32 to vector<16xf32>
      %select_n3A_403 = arith.select %gt3A_398, %broadcast_in_dim3A_401, %broadcast_in_dim3A_402 : vector<16xi1>, vector<16xf32>
      %add3A_404 = arith.addf %add3A_394, %select_n3A_403 : vector<16xf32>
      %slice3A_405 = vector.extract_strided_slice %get3A_354 {offsets = [5], sizes = [1], strides = [1]} : vector<16xf32> to vector<1xf32>
      %squeeze3A_406 = vector.extract %slice3A_405[0] : f32 from vector<1xf32>
      %gt3A_407 = vector.broadcast %squeeze3A_406 : f32 to vector<16xf32>
      %gt3A_408 = arith.cmpf ogt, %gt3A_407, %get3A_4 : vector<16xf32>
      %jit3A_409 = arith.constant 1.000000e+00 : f32
      %jit3A_410 = arith.constant 0.000000e+00 : f32
      %broadcast_in_dim3A_411 = vector.broadcast %jit3A_409 : f32 to vector<16xf32>
      %broadcast_in_dim3A_412 = vector.broadcast %jit3A_410 : f32 to vector<16xf32>
      %select_n3A_413 = arith.select %gt3A_408, %broadcast_in_dim3A_411, %broadcast_in_dim3A_412 : vector<16xi1>, vector<16xf32>
      %add3A_414 = arith.addf %add3A_404, %select_n3A_413 : vector<16xf32>
      %slice3A_415 = vector.extract_strided_slice %get3A_354 {offsets = [6], sizes = [1], strides = [1]} : vector<16xf32> to vector<1xf32>
      %squeeze3A_416 = vector.extract %slice3A_415[0] : f32 from vector<1xf32>
      %gt3A_417 = vector.broadcast %squeeze3A_416 : f32 to vector<16xf32>
      %gt3A_418 = arith.cmpf ogt, %gt3A_417, %get3A_4 : vector<16xf32>
      %jit3A_419 = arith.constant 1.000000e+00 : f32
      %jit3A_420 = arith.constant 0.000000e+00 : f32
      %broadcast_in_dim3A_421 = vector.broadcast %jit3A_419 : f32 to vector<16xf32>
      %broadcast_in_dim3A_422 = vector.broadcast %jit3A_420 : f32 to vector<16xf32>
      %select_n3A_423 = arith.select %gt3A_418, %broadcast_in_dim3A_421, %broadcast_in_dim3A_422 : vector<16xi1>, vector<16xf32>
      %add3A_424 = arith.addf %add3A_414, %select_n3A_423 : vector<16xf32>
      %slice3A_425 = vector.extract_strided_slice %get3A_354 {offsets = [7], sizes = [1], strides = [1]} : vector<16xf32> to vector<1xf32>
      %squeeze3A_426 = vector.extract %slice3A_425[0] : f32 from vector<1xf32>
      %gt3A_427 = vector.broadcast %squeeze3A_426 : f32 to vector<16xf32>
      %gt3A_428 = arith.cmpf ogt, %gt3A_427, %get3A_4 : vector<16xf32>
      %jit3A_429 = arith.constant 1.000000e+00 : f32
      %jit3A_430 = arith.constant 0.000000e+00 : f32
      %broadcast_in_dim3A_431 = vector.broadcast %jit3A_429 : f32 to vector<16xf32>
      %broadcast_in_dim3A_432 = vector.broadcast %jit3A_430 : f32 to vector<16xf32>
      %select_n3A_433 = arith.select %gt3A_428, %broadcast_in_dim3A_431, %broadcast_in_dim3A_432 : vector<16xi1>, vector<16xf32>
      %add3A_434 = arith.addf %add3A_424, %select_n3A_433 : vector<16xf32>
      %slice3A_435 = vector.extract_strided_slice %get3A_354 {offsets = [8], sizes = [1], strides = [1]} : vector<16xf32> to vector<1xf32>
      %squeeze3A_436 = vector.extract %slice3A_435[0] : f32 from vector<1xf32>
      %gt3A_437 = vector.broadcast %squeeze3A_436 : f32 to vector<16xf32>
      %gt3A_438 = arith.cmpf ogt, %gt3A_437, %get3A_4 : vector<16xf32>
      %jit3A_439 = arith.constant 1.000000e+00 : f32
      %jit3A_440 = arith.constant 0.000000e+00 : f32
      %broadcast_in_dim3A_441 = vector.broadcast %jit3A_439 : f32 to vector<16xf32>
      %broadcast_in_dim3A_442 = vector.broadcast %jit3A_440 : f32 to vector<16xf32>
      %select_n3A_443 = arith.select %gt3A_438, %broadcast_in_dim3A_441, %broadcast_in_dim3A_442 : vector<16xi1>, vector<16xf32>
      %add3A_444 = arith.addf %add3A_434, %select_n3A_443 : vector<16xf32>
      %slice3A_445 = vector.extract_strided_slice %get3A_354 {offsets = [9], sizes = [1], strides = [1]} : vector<16xf32> to vector<1xf32>
      %squeeze3A_446 = vector.extract %slice3A_445[0] : f32 from vector<1xf32>
      %gt3A_447 = vector.broadcast %squeeze3A_446 : f32 to vector<16xf32>
      %gt3A_448 = arith.cmpf ogt, %gt3A_447, %get3A_4 : vector<16xf32>
      %jit3A_449 = arith.constant 1.000000e+00 : f32
      %jit3A_450 = arith.constant 0.000000e+00 : f32
      %broadcast_in_dim3A_451 = vector.broadcast %jit3A_449 : f32 to vector<16xf32>
      %broadcast_in_dim3A_452 = vector.broadcast %jit3A_450 : f32 to vector<16xf32>
      %select_n3A_453 = arith.select %gt3A_448, %broadcast_in_dim3A_451, %broadcast_in_dim3A_452 : vector<16xi1>, vector<16xf32>
      %add3A_454 = arith.addf %add3A_444, %select_n3A_453 : vector<16xf32>
      %slice3A_455 = vector.extract_strided_slice %get3A_354 {offsets = [10], sizes = [1], strides = [1]} : vector<16xf32> to vector<1xf32>
      %squeeze3A_456 = vector.extract %slice3A_455[0] : f32 from vector<1xf32>
      %gt3A_457 = vector.broadcast %squeeze3A_456 : f32 to vector<16xf32>
      %gt3A_458 = arith.cmpf ogt, %gt3A_457, %get3A_4 : vector<16xf32>
      %jit3A_459 = arith.constant 1.000000e+00 : f32
      %jit3A_460 = arith.constant 0.000000e+00 : f32
      %broadcast_in_dim3A_461 = vector.broadcast %jit3A_459 : f32 to vector<16xf32>
      %broadcast_in_dim3A_462 = vector.broadcast %jit3A_460 : f32 to vector<16xf32>
      %select_n3A_463 = arith.select %gt3A_458, %broadcast_in_dim3A_461, %broadcast_in_dim3A_462 : vector<16xi1>, vector<16xf32>
      %add3A_464 = arith.addf %add3A_454, %select_n3A_463 : vector<16xf32>
      %slice3A_465 = vector.extract_strided_slice %get3A_354 {offsets = [11], sizes = [1], strides = [1]} : vector<16xf32> to vector<1xf32>
      %squeeze3A_466 = vector.extract %slice3A_465[0] : f32 from vector<1xf32>
      %gt3A_467 = vector.broadcast %squeeze3A_466 : f32 to vector<16xf32>
      %gt3A_468 = arith.cmpf ogt, %gt3A_467, %get3A_4 : vector<16xf32>
      %jit3A_469 = arith.constant 1.000000e+00 : f32
      %jit3A_470 = arith.constant 0.000000e+00 : f32
      %broadcast_in_dim3A_471 = vector.broadcast %jit3A_469 : f32 to vector<16xf32>
      %broadcast_in_dim3A_472 = vector.broadcast %jit3A_470 : f32 to vector<16xf32>
      %select_n3A_473 = arith.select %gt3A_468, %broadcast_in_dim3A_471, %broadcast_in_dim3A_472 : vector<16xi1>, vector<16xf32>
      %add3A_474 = arith.addf %add3A_464, %select_n3A_473 : vector<16xf32>
      %slice3A_475 = vector.extract_strided_slice %get3A_354 {offsets = [12], sizes = [1], strides = [1]} : vector<16xf32> to vector<1xf32>
      %squeeze3A_476 = vector.extract %slice3A_475[0] : f32 from vector<1xf32>
      %gt3A_477 = vector.broadcast %squeeze3A_476 : f32 to vector<16xf32>
      %gt3A_478 = arith.cmpf ogt, %gt3A_477, %get3A_4 : vector<16xf32>
      %jit3A_479 = arith.constant 1.000000e+00 : f32
      %jit3A_480 = arith.constant 0.000000e+00 : f32
      %broadcast_in_dim3A_481 = vector.broadcast %jit3A_479 : f32 to vector<16xf32>
      %broadcast_in_dim3A_482 = vector.broadcast %jit3A_480 : f32 to vector<16xf32>
      %select_n3A_483 = arith.select %gt3A_478, %broadcast_in_dim3A_481, %broadcast_in_dim3A_482 : vector<16xi1>, vector<16xf32>
      %add3A_484 = arith.addf %add3A_474, %select_n3A_483 : vector<16xf32>
      %slice3A_485 = vector.extract_strided_slice %get3A_354 {offsets = [13], sizes = [1], strides = [1]} : vector<16xf32> to vector<1xf32>
      %squeeze3A_486 = vector.extract %slice3A_485[0] : f32 from vector<1xf32>
      %gt3A_487 = vector.broadcast %squeeze3A_486 : f32 to vector<16xf32>
      %gt3A_488 = arith.cmpf ogt, %gt3A_487, %get3A_4 : vector<16xf32>
      %jit3A_489 = arith.constant 1.000000e+00 : f32
      %jit3A_490 = arith.constant 0.000000e+00 : f32
      %broadcast_in_dim3A_491 = vector.broadcast %jit3A_489 : f32 to vector<16xf32>
      %broadcast_in_dim3A_492 = vector.broadcast %jit3A_490 : f32 to vector<16xf32>
      %select_n3A_493 = arith.select %gt3A_488, %broadcast_in_dim3A_491, %broadcast_in_dim3A_492 : vector<16xi1>, vector<16xf32>
      %add3A_494 = arith.addf %add3A_484, %select_n3A_493 : vector<16xf32>
      %slice3A_495 = vector.extract_strided_slice %get3A_354 {offsets = [14], sizes = [1], strides = [1]} : vector<16xf32> to vector<1xf32>
      %squeeze3A_496 = vector.extract %slice3A_495[0] : f32 from vector<1xf32>
      %gt3A_497 = vector.broadcast %squeeze3A_496 : f32 to vector<16xf32>
      %gt3A_498 = arith.cmpf ogt, %gt3A_497, %get3A_4 : vector<16xf32>
      %jit3A_499 = arith.constant 1.000000e+00 : f32
      %jit3A_500 = arith.constant 0.000000e+00 : f32
      %broadcast_in_dim3A_501 = vector.broadcast %jit3A_499 : f32 to vector<16xf32>
      %broadcast_in_dim3A_502 = vector.broadcast %jit3A_500 : f32 to vector<16xf32>
      %select_n3A_503 = arith.select %gt3A_498, %broadcast_in_dim3A_501, %broadcast_in_dim3A_502 : vector<16xi1>, vector<16xf32>
      %add3A_504 = arith.addf %add3A_494, %select_n3A_503 : vector<16xf32>
      %slice3A_505 = vector.extract_strided_slice %get3A_354 {offsets = [15], sizes = [1], strides = [1]} : vector<16xf32> to vector<1xf32>
      %squeeze3A_506 = vector.extract %slice3A_505[0] : f32 from vector<1xf32>
      %gt3A_507 = vector.broadcast %squeeze3A_506 : f32 to vector<16xf32>
      %gt3A_508 = arith.cmpf ogt, %gt3A_507, %get3A_4 : vector<16xf32>
      %jit3A_509 = arith.constant 1.000000e+00 : f32
      %jit3A_510 = arith.constant 0.000000e+00 : f32
      %broadcast_in_dim3A_511 = vector.broadcast %jit3A_509 : f32 to vector<16xf32>
      %broadcast_in_dim3A_512 = vector.broadcast %jit3A_510 : f32 to vector<16xf32>
      %select_n3A_513 = arith.select %gt3A_508, %broadcast_in_dim3A_511, %broadcast_in_dim3A_512 : vector<16xi1>, vector<16xf32>
      %add3A_514 = arith.addf %add3A_504, %select_n3A_513 : vector<16xf32>
      %scan3A_515 = arith.constant 3 : i32
      %scan3A_516 = arith.addi %scan3A_17, %scan3A_515 : i32
      %mul3A_517 = arith.constant 16 : i32
      %mul3A_518 = arith.muli %scan3A_516, %mul3A_517 : i32
      %get3A_519 = arith.index_cast %mul3A_518 : i32 to index
      %get3A_520 = tpu.vector_load %arg4[%get3A_519] {strides = array<i32>} : memref<512xf32, #tpu.memory_space<vmem>>, vector<16xf32>,
      %get3A_521 = vector.shape_cast %get3A_520 : vector<16xf32> to vector<16xf32>
      %slice3A_522 = vector.extract_strided_slice %get3A_521 {offsets = [0], sizes = [1], strides = [1]} : vector<16xf32> to vector<1xf32>
      %squeeze3A_523 = vector.extract %slice3A_522[0] : f32 from vector<1xf32>
      %gt3A_524 = vector.broadcast %squeeze3A_523 : f32 to vector<16xf32>
      %gt3A_525 = arith.cmpf ogt, %gt3A_524, %get3A_4 : vector<16xf32>
      %jit3A_526 = arith.constant 1.000000e+00 : f32
      %jit3A_527 = arith.constant 0.000000e+00 : f32
      %broadcast_in_dim3A_528 = vector.broadcast %jit3A_526 : f32 to vector<16xf32>
      %broadcast_in_dim3A_529 = vector.broadcast %jit3A_527 : f32 to vector<16xf32>
      %select_n3A_530 = arith.select %gt3A_525, %broadcast_in_dim3A_528, %broadcast_in_dim3A_529 : vector<16xi1>, vector<16xf32>
      %add3A_531 = arith.addf %add3A_514, %select_n3A_530 : vector<16xf32>
      %slice3A_532 = vector.extract_strided_slice %get3A_521 {offsets = [1], sizes = [1], strides = [1]} : vector<16xf32> to vector<1xf32>
      %squeeze3A_533 = vector.extract %slice3A_532[0] : f32 from vector<1xf32>
      %gt3A_534 = vector.broadcast %squeeze3A_533 : f32 to vector<16xf32>
      %gt3A_535 = arith.cmpf ogt, %gt3A_534, %get3A_4 : vector<16xf32>
      %jit3A_536 = arith.constant 1.000000e+00 : f32
      %jit3A_537 = arith.constant 0.000000e+00 : f32
      %broadcast_in_dim3A_538 = vector.broadcast %jit3A_536 : f32 to vector<16xf32>
      %broadcast_in_dim3A_539 = vector.broadcast %jit3A_537 : f32 to vector<16xf32>
      %select_n3A_540 = arith.select %gt3A_535, %broadcast_in_dim3A_538, %broadcast_in_dim3A_539 : vector<16xi1>, vector<16xf32>
      %add3A_541 = arith.addf %add3A_531, %select_n3A_540 : vector<16xf32>
      %slice3A_542 = vector.extract_strided_slice %get3A_521 {offsets = [2], sizes = [1], strides = [1]} : vector<16xf32> to vector<1xf32>
      %squeeze3A_543 = vector.extract %slice3A_542[0] : f32 from vector<1xf32>
      %gt3A_544 = vector.broadcast %squeeze3A_543 : f32 to vector<16xf32>
      %gt3A_545 = arith.cmpf ogt, %gt3A_544, %get3A_4 : vector<16xf32>
      %jit3A_546 = arith.constant 1.000000e+00 : f32
      %jit3A_547 = arith.constant 0.000000e+00 : f32
      %broadcast_in_dim3A_548 = vector.broadcast %jit3A_546 : f32 to vector<16xf32>
      %broadcast_in_dim3A_549 = vector.broadcast %jit3A_547 : f32 to vector<16xf32>
      %select_n3A_550 = arith.select %gt3A_545, %broadcast_in_dim3A_548, %broadcast_in_dim3A_549 : vector<16xi1>, vector<16xf32>
      %add3A_551 = arith.addf %add3A_541, %select_n3A_550 : vector<16xf32>
      %slice3A_552 = vector.extract_strided_slice %get3A_521 {offsets = [3], sizes = [1], strides = [1]} : vector<16xf32> to vector<1xf32>
      %squeeze3A_553 = vector.extract %slice3A_552[0] : f32 from vector<1xf32>
      %gt3A_554 = vector.broadcast %squeeze3A_553 : f32 to vector<16xf32>
      %gt3A_555 = arith.cmpf ogt, %gt3A_554, %get3A_4 : vector<16xf32>
      %jit3A_556 = arith.constant 1.000000e+00 : f32
      %jit3A_557 = arith.constant 0.000000e+00 : f32
      %broadcast_in_dim3A_558 = vector.broadcast %jit3A_556 : f32 to vector<16xf32>
      %broadcast_in_dim3A_559 = vector.broadcast %jit3A_557 : f32 to vector<16xf32>
      %select_n3A_560 = arith.select %gt3A_555, %broadcast_in_dim3A_558, %broadcast_in_dim3A_559 : vector<16xi1>, vector<16xf32>
      %add3A_561 = arith.addf %add3A_551, %select_n3A_560 : vector<16xf32>
      %slice3A_562 = vector.extract_strided_slice %get3A_521 {offsets = [4], sizes = [1], strides = [1]} : vector<16xf32> to vector<1xf32>
      %squeeze3A_563 = vector.extract %slice3A_562[0] : f32 from vector<1xf32>
      %gt3A_564 = vector.broadcast %squeeze3A_563 : f32 to vector<16xf32>
      %gt3A_565 = arith.cmpf ogt, %gt3A_564, %get3A_4 : vector<16xf32>
      %jit3A_566 = arith.constant 1.000000e+00 : f32
      %jit3A_567 = arith.constant 0.000000e+00 : f32
      %broadcast_in_dim3A_568 = vector.broadcast %jit3A_566 : f32 to vector<16xf32>
      %broadcast_in_dim3A_569 = vector.broadcast %jit3A_567 : f32 to vector<16xf32>
      %select_n3A_570 = arith.select %gt3A_565, %broadcast_in_dim3A_568, %broadcast_in_dim3A_569 : vector<16xi1>, vector<16xf32>
      %add3A_571 = arith.addf %add3A_561, %select_n3A_570 : vector<16xf32>
      %slice3A_572 = vector.extract_strided_slice %get3A_521 {offsets = [5], sizes = [1], strides = [1]} : vector<16xf32> to vector<1xf32>
      %squeeze3A_573 = vector.extract %slice3A_572[0] : f32 from vector<1xf32>
      %gt3A_574 = vector.broadcast %squeeze3A_573 : f32 to vector<16xf32>
      %gt3A_575 = arith.cmpf ogt, %gt3A_574, %get3A_4 : vector<16xf32>
      %jit3A_576 = arith.constant 1.000000e+00 : f32
      %jit3A_577 = arith.constant 0.000000e+00 : f32
      %broadcast_in_dim3A_578 = vector.broadcast %jit3A_576 : f32 to vector<16xf32>
      %broadcast_in_dim3A_579 = vector.broadcast %jit3A_577 : f32 to vector<16xf32>
      %select_n3A_580 = arith.select %gt3A_575, %broadcast_in_dim3A_578, %broadcast_in_dim3A_579 : vector<16xi1>, vector<16xf32>
      %add3A_581 = arith.addf %add3A_571, %select_n3A_580 : vector<16xf32>
      %slice3A_582 = vector.extract_strided_slice %get3A_521 {offsets = [6], sizes = [1], strides = [1]} : vector<16xf32> to vector<1xf32>
      %squeeze3A_583 = vector.extract %slice3A_582[0] : f32 from vector<1xf32>
      %gt3A_584 = vector.broadcast %squeeze3A_583 : f32 to vector<16xf32>
      %gt3A_585 = arith.cmpf ogt, %gt3A_584, %get3A_4 : vector<16xf32>
      %jit3A_586 = arith.constant 1.000000e+00 : f32
      %jit3A_587 = arith.constant 0.000000e+00 : f32
      %broadcast_in_dim3A_588 = vector.broadcast %jit3A_586 : f32 to vector<16xf32>
      %broadcast_in_dim3A_589 = vector.broadcast %jit3A_587 : f32 to vector<16xf32>
      %select_n3A_590 = arith.select %gt3A_585, %broadcast_in_dim3A_588, %broadcast_in_dim3A_589 : vector<16xi1>, vector<16xf32>
      %add3A_591 = arith.addf %add3A_581, %select_n3A_590 : vector<16xf32>
      %slice3A_592 = vector.extract_strided_slice %get3A_521 {offsets = [7], sizes = [1], strides = [1]} : vector<16xf32> to vector<1xf32>
      %squeeze3A_593 = vector.extract %slice3A_592[0] : f32 from vector<1xf32>
      %gt3A_594 = vector.broadcast %squeeze3A_593 : f32 to vector<16xf32>
      %gt3A_595 = arith.cmpf ogt, %gt3A_594, %get3A_4 : vector<16xf32>
      %jit3A_596 = arith.constant 1.000000e+00 : f32
      %jit3A_597 = arith.constant 0.000000e+00 : f32
      %broadcast_in_dim3A_598 = vector.broadcast %jit3A_596 : f32 to vector<16xf32>
      %broadcast_in_dim3A_599 = vector.broadcast %jit3A_597 : f32 to vector<16xf32>
      %select_n3A_600 = arith.select %gt3A_595, %broadcast_in_dim3A_598, %broadcast_in_dim3A_599 : vector<16xi1>, vector<16xf32>
      %add3A_601 = arith.addf %add3A_591, %select_n3A_600 : vector<16xf32>
      %slice3A_602 = vector.extract_strided_slice %get3A_521 {offsets = [8], sizes = [1], strides = [1]} : vector<16xf32> to vector<1xf32>
      %squeeze3A_603 = vector.extract %slice3A_602[0] : f32 from vector<1xf32>
      %gt3A_604 = vector.broadcast %squeeze3A_603 : f32 to vector<16xf32>
      %gt3A_605 = arith.cmpf ogt, %gt3A_604, %get3A_4 : vector<16xf32>
      %jit3A_606 = arith.constant 1.000000e+00 : f32
      %jit3A_607 = arith.constant 0.000000e+00 : f32
      %broadcast_in_dim3A_608 = vector.broadcast %jit3A_606 : f32 to vector<16xf32>
      %broadcast_in_dim3A_609 = vector.broadcast %jit3A_607 : f32 to vector<16xf32>
      %select_n3A_610 = arith.select %gt3A_605, %broadcast_in_dim3A_608, %broadcast_in_dim3A_609 : vector<16xi1>, vector<16xf32>
      %add3A_611 = arith.addf %add3A_601, %select_n3A_610 : vector<16xf32>
      %slice3A_612 = vector.extract_strided_slice %get3A_521 {offsets = [9], sizes = [1], strides = [1]} : vector<16xf32> to vector<1xf32>
      %squeeze3A_613 = vector.extract %slice3A_612[0] : f32 from vector<1xf32>
      %gt3A_614 = vector.broadcast %squeeze3A_613 : f32 to vector<16xf32>
      %gt3A_615 = arith.cmpf ogt, %gt3A_614, %get3A_4 : vector<16xf32>
      %jit3A_616 = arith.constant 1.000000e+00 : f32
      %jit3A_617 = arith.constant 0.000000e+00 : f32
      %broadcast_in_dim3A_618 = vector.broadcast %jit3A_616 : f32 to vector<16xf32>
      %broadcast_in_dim3A_619 = vector.broadcast %jit3A_617 : f32 to vector<16xf32>
      %select_n3A_620 = arith.select %gt3A_615, %broadcast_in_dim3A_618, %broadcast_in_dim3A_619 : vector<16xi1>, vector<16xf32>
      %add3A_621 = arith.addf %add3A_611, %select_n3A_620 : vector<16xf32>
      %slice3A_622 = vector.extract_strided_slice %get3A_521 {offsets = [10], sizes = [1], strides = [1]} : vector<16xf32> to vector<1xf32>
      %squeeze3A_623 = vector.extract %slice3A_622[0] : f32 from vector<1xf32>
      %gt3A_624 = vector.broadcast %squeeze3A_623 : f32 to vector<16xf32>
      %gt3A_625 = arith.cmpf ogt, %gt3A_624, %get3A_4 : vector<16xf32>
      %jit3A_626 = arith.constant 1.000000e+00 : f32
      %jit3A_627 = arith.constant 0.000000e+00 : f32
      %broadcast_in_dim3A_628 = vector.broadcast %jit3A_626 : f32 to vector<16xf32>
      %broadcast_in_dim3A_629 = vector.broadcast %jit3A_627 : f32 to vector<16xf32>
      %select_n3A_630 = arith.select %gt3A_625, %broadcast_in_dim3A_628, %broadcast_in_dim3A_629 : vector<16xi1>, vector<16xf32>
      %add3A_631 = arith.addf %add3A_621, %select_n3A_630 : vector<16xf32>
      %slice3A_632 = vector.extract_strided_slice %get3A_521 {offsets = [11], sizes = [1], strides = [1]} : vector<16xf32> to vector<1xf32>
      %squeeze3A_633 = vector.extract %slice3A_632[0] : f32 from vector<1xf32>
      %gt3A_634 = vector.broadcast %squeeze3A_633 : f32 to vector<16xf32>
      %gt3A_635 = arith.cmpf ogt, %gt3A_634, %get3A_4 : vector<16xf32>
      %jit3A_636 = arith.constant 1.000000e+00 : f32
      %jit3A_637 = arith.constant 0.000000e+00 : f32
      %broadcast_in_dim3A_638 = vector.broadcast %jit3A_636 : f32 to vector<16xf32>
      %broadcast_in_dim3A_639 = vector.broadcast %jit3A_637 : f32 to vector<16xf32>
      %select_n3A_640 = arith.select %gt3A_635, %broadcast_in_dim3A_638, %broadcast_in_dim3A_639 : vector<16xi1>, vector<16xf32>
      %add3A_641 = arith.addf %add3A_631, %select_n3A_640 : vector<16xf32>
      %slice3A_642 = vector.extract_strided_slice %get3A_521 {offsets = [12], sizes = [1], strides = [1]} : vector<16xf32> to vector<1xf32>
      %squeeze3A_643 = vector.extract %slice3A_642[0] : f32 from vector<1xf32>
      %gt3A_644 = vector.broadcast %squeeze3A_643 : f32 to vector<16xf32>
      %gt3A_645 = arith.cmpf ogt, %gt3A_644, %get3A_4 : vector<16xf32>
      %jit3A_646 = arith.constant 1.000000e+00 : f32
      %jit3A_647 = arith.constant 0.000000e+00 : f32
      %broadcast_in_dim3A_648 = vector.broadcast %jit3A_646 : f32 to vector<16xf32>
      %broadcast_in_dim3A_649 = vector.broadcast %jit3A_647 : f32 to vector<16xf32>
      %select_n3A_650 = arith.select %gt3A_645, %broadcast_in_dim3A_648, %broadcast_in_dim3A_649 : vector<16xi1>, vector<16xf32>
      %add3A_651 = arith.addf %add3A_641, %select_n3A_650 : vector<16xf32>
      %slice3A_652 = vector.extract_strided_slice %get3A_521 {offsets = [13], sizes = [1], strides = [1]} : vector<16xf32> to vector<1xf32>
      %squeeze3A_653 = vector.extract %slice3A_652[0] : f32 from vector<1xf32>
      %gt3A_654 = vector.broadcast %squeeze3A_653 : f32 to vector<16xf32>
      %gt3A_655 = arith.cmpf ogt, %gt3A_654, %get3A_4 : vector<16xf32>
      %jit3A_656 = arith.constant 1.000000e+00 : f32
      %jit3A_657 = arith.constant 0.000000e+00 : f32
      %broadcast_in_dim3A_658 = vector.broadcast %jit3A_656 : f32 to vector<16xf32>
      %broadcast_in_dim3A_659 = vector.broadcast %jit3A_657 : f32 to vector<16xf32>
      %select_n3A_660 = arith.select %gt3A_655, %broadcast_in_dim3A_658, %broadcast_in_dim3A_659 : vector<16xi1>, vector<16xf32>
      %add3A_661 = arith.addf %add3A_651, %select_n3A_660 : vector<16xf32>
      %slice3A_662 = vector.extract_strided_slice %get3A_521 {offsets = [14], sizes = [1], strides = [1]} : vector<16xf32> to vector<1xf32>
      %squeeze3A_663 = vector.extract %slice3A_662[0] : f32 from vector<1xf32>
      %gt3A_664 = vector.broadcast %squeeze3A_663 : f32 to vector<16xf32>
      %gt3A_665 = arith.cmpf ogt, %gt3A_664, %get3A_4 : vector<16xf32>
      %jit3A_666 = arith.constant 1.000000e+00 : f32
      %jit3A_667 = arith.constant 0.000000e+00 : f32
      %broadcast_in_dim3A_668 = vector.broadcast %jit3A_666 : f32 to vector<16xf32>
      %broadcast_in_dim3A_669 = vector.broadcast %jit3A_667 : f32 to vector<16xf32>
      %select_n3A_670 = arith.select %gt3A_665, %broadcast_in_dim3A_668, %broadcast_in_dim3A_669 : vector<16xi1>, vector<16xf32>
      %add3A_671 = arith.addf %add3A_661, %select_n3A_670 : vector<16xf32>
      %slice3A_672 = vector.extract_strided_slice %get3A_521 {offsets = [15], sizes = [1], strides = [1]} : vector<16xf32> to vector<1xf32>
      %squeeze3A_673 = vector.extract %slice3A_672[0] : f32 from vector<1xf32>
      %gt3A_674 = vector.broadcast %squeeze3A_673 : f32 to vector<16xf32>
      %gt3A_675 = arith.cmpf ogt, %gt3A_674, %get3A_4 : vector<16xf32>
      %jit3A_676 = arith.constant 1.000000e+00 : f32
      %jit3A_677 = arith.constant 0.000000e+00 : f32
      %broadcast_in_dim3A_678 = vector.broadcast %jit3A_676 : f32 to vector<16xf32>
      %broadcast_in_dim3A_679 = vector.broadcast %jit3A_677 : f32 to vector<16xf32>
      %select_n3A_680 = arith.select %gt3A_675, %broadcast_in_dim3A_678, %broadcast_in_dim3A_679 : vector<16xi1>, vector<16xf32>
      %add3A_681 = arith.addf %add3A_671, %select_n3A_680 : vector<16xf32>
      %scan3A_682 = arith.constant 4 : i32
      %scan3A_683 = arith.addi %scan3A_17, %scan3A_682 : i32
      %mul3A_684 = arith.constant 16 : i32
      %mul3A_685 = arith.muli %scan3A_683, %mul3A_684 : i32
      %get3A_686 = arith.index_cast %mul3A_685 : i32 to index
      %get3A_687 = tpu.vector_load %arg4[%get3A_686] {strides = array<i32>} : memref<512xf32, #tpu.memory_space<vmem>>, vector<16xf32>,
      %get3A_688 = vector.shape_cast %get3A_687 : vector<16xf32> to vector<16xf32>
      %slice3A_689 = vector.extract_strided_slice %get3A_688 {offsets = [0], sizes = [1], strides = [1]} : vector<16xf32> to vector<1xf32>
      %squeeze3A_690 = vector.extract %slice3A_689[0] : f32 from vector<1xf32>
      %gt3A_691 = vector.broadcast %squeeze3A_690 : f32 to vector<16xf32>
      %gt3A_692 = arith.cmpf ogt, %gt3A_691, %get3A_4 : vector<16xf32>
      %jit3A_693 = arith.constant 1.000000e+00 : f32
      %jit3A_694 = arith.constant 0.000000e+00 : f32
      %broadcast_in_dim3A_695 = vector.broadcast %jit3A_693 : f32 to vector<16xf32>
      %broadcast_in_dim3A_696 = vector.broadcast %jit3A_694 : f32 to vector<16xf32>
      %select_n3A_697 = arith.select %gt3A_692, %broadcast_in_dim3A_695, %broadcast_in_dim3A_696 : vector<16xi1>, vector<16xf32>
      %add3A_698 = arith.addf %add3A_681, %select_n3A_697 : vector<16xf32>
      %slice3A_699 = vector.extract_strided_slice %get3A_688 {offsets = [1], sizes = [1], strides = [1]} : vector<16xf32> to vector<1xf32>
      %squeeze3A_700 = vector.extract %slice3A_699[0] : f32 from vector<1xf32>
      %gt3A_701 = vector.broadcast %squeeze3A_700 : f32 to vector<16xf32>
      %gt3A_702 = arith.cmpf ogt, %gt3A_701, %get3A_4 : vector<16xf32>
      %jit3A_703 = arith.constant 1.000000e+00 : f32
      %jit3A_704 = arith.constant 0.000000e+00 : f32
      %broadcast_in_dim3A_705 = vector.broadcast %jit3A_703 : f32 to vector<16xf32>
      %broadcast_in_dim3A_706 = vector.broadcast %jit3A_704 : f32 to vector<16xf32>
      %select_n3A_707 = arith.select %gt3A_702, %broadcast_in_dim3A_705, %broadcast_in_dim3A_706 : vector<16xi1>, vector<16xf32>
      %add3A_708 = arith.addf %add3A_698, %select_n3A_707 : vector<16xf32>
      %slice3A_709 = vector.extract_strided_slice %get3A_688 {offsets = [2], sizes = [1], strides = [1]} : vector<16xf32> to vector<1xf32>
      %squeeze3A_710 = vector.extract %slice3A_709[0] : f32 from vector<1xf32>
      %gt3A_711 = vector.broadcast %squeeze3A_710 : f32 to vector<16xf32>
      %gt3A_712 = arith.cmpf ogt, %gt3A_711, %get3A_4 : vector<16xf32>
      %jit3A_713 = arith.constant 1.000000e+00 : f32
      %jit3A_714 = arith.constant 0.000000e+00 : f32
      %broadcast_in_dim3A_715 = vector.broadcast %jit3A_713 : f32 to vector<16xf32>
      %broadcast_in_dim3A_716 = vector.broadcast %jit3A_714 : f32 to vector<16xf32>
      %select_n3A_717 = arith.select %gt3A_712, %broadcast_in_dim3A_715, %broadcast_in_dim3A_716 : vector<16xi1>, vector<16xf32>
      %add3A_718 = arith.addf %add3A_708, %select_n3A_717 : vector<16xf32>
      %slice3A_719 = vector.extract_strided_slice %get3A_688 {offsets = [3], sizes = [1], strides = [1]} : vector<16xf32> to vector<1xf32>
      %squeeze3A_720 = vector.extract %slice3A_719[0] : f32 from vector<1xf32>
      %gt3A_721 = vector.broadcast %squeeze3A_720 : f32 to vector<16xf32>
      %gt3A_722 = arith.cmpf ogt, %gt3A_721, %get3A_4 : vector<16xf32>
      %jit3A_723 = arith.constant 1.000000e+00 : f32
      %jit3A_724 = arith.constant 0.000000e+00 : f32
      %broadcast_in_dim3A_725 = vector.broadcast %jit3A_723 : f32 to vector<16xf32>
      %broadcast_in_dim3A_726 = vector.broadcast %jit3A_724 : f32 to vector<16xf32>
      %select_n3A_727 = arith.select %gt3A_722, %broadcast_in_dim3A_725, %broadcast_in_dim3A_726 : vector<16xi1>, vector<16xf32>
      %add3A_728 = arith.addf %add3A_718, %select_n3A_727 : vector<16xf32>
      %slice3A_729 = vector.extract_strided_slice %get3A_688 {offsets = [4], sizes = [1], strides = [1]} : vector<16xf32> to vector<1xf32>
      %squeeze3A_730 = vector.extract %slice3A_729[0] : f32 from vector<1xf32>
      %gt3A_731 = vector.broadcast %squeeze3A_730 : f32 to vector<16xf32>
      %gt3A_732 = arith.cmpf ogt, %gt3A_731, %get3A_4 : vector<16xf32>
      %jit3A_733 = arith.constant 1.000000e+00 : f32
      %jit3A_734 = arith.constant 0.000000e+00 : f32
      %broadcast_in_dim3A_735 = vector.broadcast %jit3A_733 : f32 to vector<16xf32>
      %broadcast_in_dim3A_736 = vector.broadcast %jit3A_734 : f32 to vector<16xf32>
      %select_n3A_737 = arith.select %gt3A_732, %broadcast_in_dim3A_735, %broadcast_in_dim3A_736 : vector<16xi1>, vector<16xf32>
      %add3A_738 = arith.addf %add3A_728, %select_n3A_737 : vector<16xf32>
      %slice3A_739 = vector.extract_strided_slice %get3A_688 {offsets = [5], sizes = [1], strides = [1]} : vector<16xf32> to vector<1xf32>
      %squeeze3A_740 = vector.extract %slice3A_739[0] : f32 from vector<1xf32>
      %gt3A_741 = vector.broadcast %squeeze3A_740 : f32 to vector<16xf32>
      %gt3A_742 = arith.cmpf ogt, %gt3A_741, %get3A_4 : vector<16xf32>
      %jit3A_743 = arith.constant 1.000000e+00 : f32
      %jit3A_744 = arith.constant 0.000000e+00 : f32
      %broadcast_in_dim3A_745 = vector.broadcast %jit3A_743 : f32 to vector<16xf32>
      %broadcast_in_dim3A_746 = vector.broadcast %jit3A_744 : f32 to vector<16xf32>
      %select_n3A_747 = arith.select %gt3A_742, %broadcast_in_dim3A_745, %broadcast_in_dim3A_746 : vector<16xi1>, vector<16xf32>
      %add3A_748 = arith.addf %add3A_738, %select_n3A_747 : vector<16xf32>
      %slice3A_749 = vector.extract_strided_slice %get3A_688 {offsets = [6], sizes = [1], strides = [1]} : vector<16xf32> to vector<1xf32>
      %squeeze3A_750 = vector.extract %slice3A_749[0] : f32 from vector<1xf32>
      %gt3A_751 = vector.broadcast %squeeze3A_750 : f32 to vector<16xf32>
      %gt3A_752 = arith.cmpf ogt, %gt3A_751, %get3A_4 : vector<16xf32>
      %jit3A_753 = arith.constant 1.000000e+00 : f32
      %jit3A_754 = arith.constant 0.000000e+00 : f32
      %broadcast_in_dim3A_755 = vector.broadcast %jit3A_753 : f32 to vector<16xf32>
      %broadcast_in_dim3A_756 = vector.broadcast %jit3A_754 : f32 to vector<16xf32>
      %select_n3A_757 = arith.select %gt3A_752, %broadcast_in_dim3A_755, %broadcast_in_dim3A_756 : vector<16xi1>, vector<16xf32>
      %add3A_758 = arith.addf %add3A_748, %select_n3A_757 : vector<16xf32>
      %slice3A_759 = vector.extract_strided_slice %get3A_688 {offsets = [7], sizes = [1], strides = [1]} : vector<16xf32> to vector<1xf32>
      %squeeze3A_760 = vector.extract %slice3A_759[0] : f32 from vector<1xf32>
      %gt3A_761 = vector.broadcast %squeeze3A_760 : f32 to vector<16xf32>
      %gt3A_762 = arith.cmpf ogt, %gt3A_761, %get3A_4 : vector<16xf32>
      %jit3A_763 = arith.constant 1.000000e+00 : f32
      %jit3A_764 = arith.constant 0.000000e+00 : f32
      %broadcast_in_dim3A_765 = vector.broadcast %jit3A_763 : f32 to vector<16xf32>
      %broadcast_in_dim3A_766 = vector.broadcast %jit3A_764 : f32 to vector<16xf32>
      %select_n3A_767 = arith.select %gt3A_762, %broadcast_in_dim3A_765, %broadcast_in_dim3A_766 : vector<16xi1>, vector<16xf32>
      %add3A_768 = arith.addf %add3A_758, %select_n3A_767 : vector<16xf32>
      %slice3A_769 = vector.extract_strided_slice %get3A_688 {offsets = [8], sizes = [1], strides = [1]} : vector<16xf32> to vector<1xf32>
      %squeeze3A_770 = vector.extract %slice3A_769[0] : f32 from vector<1xf32>
      %gt3A_771 = vector.broadcast %squeeze3A_770 : f32 to vector<16xf32>
      %gt3A_772 = arith.cmpf ogt, %gt3A_771, %get3A_4 : vector<16xf32>
      %jit3A_773 = arith.constant 1.000000e+00 : f32
      %jit3A_774 = arith.constant 0.000000e+00 : f32
      %broadcast_in_dim3A_775 = vector.broadcast %jit3A_773 : f32 to vector<16xf32>
      %broadcast_in_dim3A_776 = vector.broadcast %jit3A_774 : f32 to vector<16xf32>
      %select_n3A_777 = arith.select %gt3A_772, %broadcast_in_dim3A_775, %broadcast_in_dim3A_776 : vector<16xi1>, vector<16xf32>
      %add3A_778 = arith.addf %add3A_768, %select_n3A_777 : vector<16xf32>
      %slice3A_779 = vector.extract_strided_slice %get3A_688 {offsets = [9], sizes = [1], strides = [1]} : vector<16xf32> to vector<1xf32>
      %squeeze3A_780 = vector.extract %slice3A_779[0] : f32 from vector<1xf32>
      %gt3A_781 = vector.broadcast %squeeze3A_780 : f32 to vector<16xf32>
      %gt3A_782 = arith.cmpf ogt, %gt3A_781, %get3A_4 : vector<16xf32>
      %jit3A_783 = arith.constant 1.000000e+00 : f32
      %jit3A_784 = arith.constant 0.000000e+00 : f32
      %broadcast_in_dim3A_785 = vector.broadcast %jit3A_783 : f32 to vector<16xf32>
      %broadcast_in_dim3A_786 = vector.broadcast %jit3A_784 : f32 to vector<16xf32>
      %select_n3A_787 = arith.select %gt3A_782, %broadcast_in_dim3A_785, %broadcast_in_dim3A_786 : vector<16xi1>, vector<16xf32>
      %add3A_788 = arith.addf %add3A_778, %select_n3A_787 : vector<16xf32>
      %slice3A_789 = vector.extract_strided_slice %get3A_688 {offsets = [10], sizes = [1], strides = [1]} : vector<16xf32> to vector<1xf32>
      %squeeze3A_790 = vector.extract %slice3A_789[0] : f32 from vector<1xf32>
      %gt3A_791 = vector.broadcast %squeeze3A_790 : f32 to vector<16xf32>
      %gt3A_792 = arith.cmpf ogt, %gt3A_791, %get3A_4 : vector<16xf32>
      %jit3A_793 = arith.constant 1.000000e+00 : f32
      %jit3A_794 = arith.constant 0.000000e+00 : f32
      %broadcast_in_dim3A_795 = vector.broadcast %jit3A_793 : f32 to vector<16xf32>
      %broadcast_in_dim3A_796 = vector.broadcast %jit3A_794 : f32 to vector<16xf32>
      %select_n3A_797 = arith.select %gt3A_792, %broadcast_in_dim3A_795, %broadcast_in_dim3A_796 : vector<16xi1>, vector<16xf32>
      %add3A_798 = arith.addf %add3A_788, %select_n3A_797 : vector<16xf32>
      %slice3A_799 = vector.extract_strided_slice %get3A_688 {offsets = [11], sizes = [1], strides = [1]} : vector<16xf32> to vector<1xf32>
      %squeeze3A_800 = vector.extract %slice3A_799[0] : f32 from vector<1xf32>
      %gt3A_801 = vector.broadcast %squeeze3A_800 : f32 to vector<16xf32>
      %gt3A_802 = arith.cmpf ogt, %gt3A_801, %get3A_4 : vector<16xf32>
      %jit3A_803 = arith.constant 1.000000e+00 : f32
      %jit3A_804 = arith.constant 0.000000e+00 : f32
      %broadcast_in_dim3A_805 = vector.broadcast %jit3A_803 : f32 to vector<16xf32>
      %broadcast_in_dim3A_806 = vector.broadcast %jit3A_804 : f32 to vector<16xf32>
      %select_n3A_807 = arith.select %gt3A_802, %broadcast_in_dim3A_805, %broadcast_in_dim3A_806 : vector<16xi1>, vector<16xf32>
      %add3A_808 = arith.addf %add3A_798, %select_n3A_807 : vector<16xf32>
      %slice3A_809 = vector.extract_strided_slice %get3A_688 {offsets = [12], sizes = [1], strides = [1]} : vector<16xf32> to vector<1xf32>
      %squeeze3A_810 = vector.extract %slice3A_809[0] : f32 from vector<1xf32>
      %gt3A_811 = vector.broadcast %squeeze3A_810 : f32 to vector<16xf32>
      %gt3A_812 = arith.cmpf ogt, %gt3A_811, %get3A_4 : vector<16xf32>
      %jit3A_813 = arith.constant 1.000000e+00 : f32
      %jit3A_814 = arith.constant 0.000000e+00 : f32
      %broadcast_in_dim3A_815 = vector.broadcast %jit3A_813 : f32 to vector<16xf32>
      %broadcast_in_dim3A_816 = vector.broadcast %jit3A_814 : f32 to vector<16xf32>
      %select_n3A_817 = arith.select %gt3A_812, %broadcast_in_dim3A_815, %broadcast_in_dim3A_816 : vector<16xi1>, vector<16xf32>
      %add3A_818 = arith.addf %add3A_808, %select_n3A_817 : vector<16xf32>
      %slice3A_819 = vector.extract_strided_slice %get3A_688 {offsets = [13], sizes = [1], strides = [1]} : vector<16xf32> to vector<1xf32>
      %squeeze3A_820 = vector.extract %slice3A_819[0] : f32 from vector<1xf32>
      %gt3A_821 = vector.broadcast %squeeze3A_820 : f32 to vector<16xf32>
      %gt3A_822 = arith.cmpf ogt, %gt3A_821, %get3A_4 : vector<16xf32>
      %jit3A_823 = arith.constant 1.000000e+00 : f32
      %jit3A_824 = arith.constant 0.000000e+00 : f32
      %broadcast_in_dim3A_825 = vector.broadcast %jit3A_823 : f32 to vector<16xf32>
      %broadcast_in_dim3A_826 = vector.broadcast %jit3A_824 : f32 to vector<16xf32>
      %select_n3A_827 = arith.select %gt3A_822, %broadcast_in_dim3A_825, %broadcast_in_dim3A_826 : vector<16xi1>, vector<16xf32>
      %add3A_828 = arith.addf %add3A_818, %select_n3A_827 : vector<16xf32>
      %slice3A_829 = vector.extract_strided_slice %get3A_688 {offsets = [14], sizes = [1], strides = [1]} : vector<16xf32> to vector<1xf32>
      %squeeze3A_830 = vector.extract %slice3A_829[0] : f32 from vector<1xf32>
      %gt3A_831 = vector.broadcast %squeeze3A_830 : f32 to vector<16xf32>
      %gt3A_832 = arith.cmpf ogt, %gt3A_831, %get3A_4 : vector<16xf32>
      %jit3A_833 = arith.constant 1.000000e+00 : f32
      %jit3A_834 = arith.constant 0.000000e+00 : f32
      %broadcast_in_dim3A_835 = vector.broadcast %jit3A_833 : f32 to vector<16xf32>
      %broadcast_in_dim3A_836 = vector.broadcast %jit3A_834 : f32 to vector<16xf32>
      %select_n3A_837 = arith.select %gt3A_832, %broadcast_in_dim3A_835, %broadcast_in_dim3A_836 : vector<16xi1>, vector<16xf32>
      %add3A_838 = arith.addf %add3A_828, %select_n3A_837 : vector<16xf32>
      %slice3A_839 = vector.extract_strided_slice %get3A_688 {offsets = [15], sizes = [1], strides = [1]} : vector<16xf32> to vector<1xf32>
      %squeeze3A_840 = vector.extract %slice3A_839[0] : f32 from vector<1xf32>
      %gt3A_841 = vector.broadcast %squeeze3A_840 : f32 to vector<16xf32>
      %gt3A_842 = arith.cmpf ogt, %gt3A_841, %get3A_4 : vector<16xf32>
      %jit3A_843 = arith.constant 1.000000e+00 : f32
      %jit3A_844 = arith.constant 0.000000e+00 : f32
      %broadcast_in_dim3A_845 = vector.broadcast %jit3A_843 : f32 to vector<16xf32>
      %broadcast_in_dim3A_846 = vector.broadcast %jit3A_844 : f32 to vector<16xf32>
      %select_n3A_847 = arith.select %gt3A_842, %broadcast_in_dim3A_845, %broadcast_in_dim3A_846 : vector<16xi1>, vector<16xf32>
      %add3A_848 = arith.addf %add3A_838, %select_n3A_847 : vector<16xf32>
      scf.yield %add3A_848 : vector<16xf32>
    }
    %scan3A_10 = arith.constant 30 : i32
    %lt3A = arith.constant 5.000000e+01 : f32
    %lt3A_11 = vector.broadcast %lt3A : f32 to vector<16xf32>
    %lt3A_12 = arith.cmpf olt, %scan3A_9, %lt3A_11 : vector<16xf32>
    %jit3A = arith.constant 0.000000e+00 : f32
    %broadcast_in_dim3A_13 = vector.broadcast %jit3A : f32 to vector<16xf32>
    %select_n3A = arith.select %lt3A_12, %get3A_4, %broadcast_in_dim3A_13 : vector<16xi1>, vector<16xf32>
    %swap3A = arith.constant 0 : index
    %swap3A_14 = tpu.vector_load %arg5[%swap3A] {strides = array<i32>} : memref<16xf32, #tpu.memory_space<vmem>>, vector<16xf32>,
    %swap3A_15 = vector.shape_cast %swap3A_14 : vector<16xf32> to vector<16xf32>
    %swap3A_16 = vector.shape_cast %select_n3A : vector<16xf32> to vector<16xf32>
    tpu.vector_store %arg5[%swap3A], %swap3A_16 {strides = array<i32>} : memref<16xf32, #tpu.memory_space<vmem>>, vector<16xf32>,
    "tpu.region"() ({
      %run_scoped3A = tpu.sem_alloc : memref<!tpu.dma_semaphore, #tpu.memory_space<semaphore_mem>>
      %dma_start3A = tpu.memref_slice %arg3[%mul3A_2] : memref<512xf32, #tpu.memory_space<hbm>> -> memref<16xf32, #tpu.memory_space<hbm>>
      %dma_start3A_17 = tpu.memref_slice %arg3[%mul3A_2] : memref<512xf32, #tpu.memory_space<hbm>> -> memref<16xf32, #tpu.memory_space<hbm>>
      tpu.enqueue_dma source(%arg5 : memref<16xf32, #tpu.memory_space<vmem>>) target(%dma_start3A_17 : memref<16xf32, #tpu.memory_space<hbm>>) target_semaphore(%run_scoped3A : memref<!tpu.dma_semaphore, #tpu.memory_space<semaphore_mem>>)
      %dma_wait3A = tpu.memref_slice %arg3[%mul3A_2] : memref<512xf32, #tpu.memory_space<hbm>> -> memref<16xf32, #tpu.memory_space<hbm>>
      %dma_wait3A_18 = tpu.memref_slice %arg3[%mul3A_2] : memref<512xf32, #tpu.memory_space<hbm>> -> memref<16xf32, #tpu.memory_space<hbm>>
      tpu.wait_dma2 semaphore(%run_scoped3A : memref<!tpu.dma_semaphore, #tpu.memory_space<semaphore_mem>>) src(%arg5 : memref<16xf32, #tpu.memory_space<vmem>>) dst(%dma_wait3A_18 : memref<16xf32, #tpu.memory_space<hbm>>)
      tpu.yield
    }) : () -> ()
    return
  }
}

module attributes {stable_mosaic.version = 14 : i64} {
  func.func @_tc_body(%arg0: i32, %arg1: memref<1x2048xf32, #tpu.memory_space<vmem>>, %arg2: memref<1x471xf32, #tpu.memory_space<vmem>>, %arg3: memref<1x471xf32, #tpu.memory_space<vmem>>, %arg4: memref<2048x256xf32, #tpu.memory_space<vmem>>, %arg5: memref<2048x471xf32, #tpu.memory_space<vmem>>, %arg6: memref<471x256xf32, #tpu.memory_space<vmem>>, %arg7: memref<1x471xf32, #tpu.memory_space<vmem>>, %arg8: memref<1x512xf32, #tpu.memory_space<vmem>>, %arg9: memref<1x471xf32, #tpu.memory_space<vmem>>, %arg10: memref<1x256xf32, #tpu.memory_space<vmem>>) attributes {dimension_semantics = [#tpu.dimension_semantics<arbitrary>], iteration_bounds = array<i64: 2>, scalar_prefetch = 0 : i64, scratch_operands = 2 : i64, tpu.core_type = #tpu.core_type<tc>, window_params = [{transform_indices = @transform_0, window_bounds = array<i64: 1, 2048>}, {pipeline_mode = #tpu.pipeline_mode<synchronous>, transform_indices = @transform_1, window_bounds = array<i64: 1, 471>}, {pipeline_mode = #tpu.pipeline_mode<synchronous>, transform_indices = @transform_2, window_bounds = array<i64: 1, 471>}, {transform_indices = @transform_3, window_bounds = array<i64: 2048, 256>}, {transform_indices = @transform_4, window_bounds = array<i64: 2048, 471>}, {pipeline_mode = #tpu.pipeline_mode<synchronous>, transform_indices = @transform_5, window_bounds = array<i64: 471, 256>}, {pipeline_mode = #tpu.pipeline_mode<synchronous>, transform_indices = @transform_6, window_bounds = array<i64: 1, 471>}, {pipeline_mode = #tpu.pipeline_mode<synchronous>, transform_indices = @transform_7, window_bounds = array<i64: 1, 512>}]} {
    %eq3A = arith.constant 0 : i32
    %eq3A_0 = arith.cmpi eq, %arg0, %eq3A : i32
    %convert_element_type3A = arith.extui %eq3A_0 : i1 to i32
    %cond3A = arith.constant 0 : i32
    %cond3A_1 = arith.cmpi ne, %convert_element_type3A, %cond3A : i32
    scf.if %cond3A_1 {
      %broadcast_in_dim3A_31 = arith.constant 0.000000e+00 : f32
      %broadcast_in_dim3A_32 = vector.broadcast %broadcast_in_dim3A_31 : f32 to vector<1x471xf32>
      %swap3A_33 = arith.constant 0 : index
      %swap3A_34 = arith.constant 0 : index
      %swap3A_35 = vector.load %arg9[%swap3A_33, %swap3A_34] : memref<1x471xf32, #tpu.memory_space<vmem>>, vector<1x471xf32>
      tpu.vector_store %arg9[%swap3A_33, %swap3A_34], %broadcast_in_dim3A_32 {strides = array<i32>} : memref<1x471xf32, #tpu.memory_space<vmem>>, vector<1x471xf32>,
      %broadcast_in_dim3A_36 = arith.constant 0.000000e+00 : f32
      %broadcast_in_dim3A_37 = vector.broadcast %broadcast_in_dim3A_36 : f32 to vector<1x256xf32>
      %swap3A_38 = arith.constant 0 : index
      %swap3A_39 = arith.constant 0 : index
      %swap3A_40 = vector.load %arg10[%swap3A_38, %swap3A_39] : memref<1x256xf32, #tpu.memory_space<vmem>>, vector<1x256xf32>
      tpu.vector_store %arg10[%swap3A_38, %swap3A_39], %broadcast_in_dim3A_37 {strides = array<i32>} : memref<1x256xf32, #tpu.memory_space<vmem>>, vector<1x256xf32>,
    } else {
    }
    %get3A = arith.constant 0 : index
    %get3A_2 = arith.constant 0 : index
    %get3A_3 = vector.load %arg9[%get3A, %get3A_2] : memref<1x471xf32, #tpu.memory_space<vmem>>, vector<1x471xf32>
    %get3A_4 = arith.constant 0 : index
    %get3A_5 = arith.constant 0 : index
    %get3A_6 = vector.load %arg1[%get3A_4, %get3A_5] : memref<1x2048xf32, #tpu.memory_space<vmem>>, vector<1x2048xf32>
    %get3A_7 = arith.constant 0 : index
    %get3A_8 = arith.constant 0 : index
    %get3A_9 = vector.load %arg5[%get3A_7, %get3A_8] : memref<2048x471xf32, #tpu.memory_space<vmem>>, vector<2048x471xf32>
    %dot_general3A = arith.constant dense<0.000000e+00> : vector<1x471xf32>
    %dot_general3A_10 = tpu.matmul %get3A_6, %get3A_9, %dot_general3A {dimension_numbers = #tpu.dot_dimension_numbers<[1], [0], [0], [1], [0, 0, 1, 1], [], []>, transpose_lhs_hint = false} : vector<1x2048xf32>, vector<2048x471xf32>, vector<1x471xf32> -> vector<1x471xf32>
    %add3A = arith.addf %get3A_3, %dot_general3A_10 : vector<1x471xf32>
    %swap3A = arith.constant 0 : index
    %swap3A_11 = arith.constant 0 : index
    %swap3A_12 = vector.load %arg9[%swap3A, %swap3A_11] : memref<1x471xf32, #tpu.memory_space<vmem>>, vector<1x471xf32>
    tpu.vector_store %arg9[%swap3A, %swap3A_11], %add3A {strides = array<i32>} : memref<1x471xf32, #tpu.memory_space<vmem>>, vector<1x471xf32>,
    %get3A_13 = arith.constant 0 : index
    %get3A_14 = arith.constant 0 : index
    %get3A_15 = vector.load %arg10[%get3A_13, %get3A_14] : memref<1x256xf32, #tpu.memory_space<vmem>>, vector<1x256xf32>
    %broadcast_in_dim3A = arith.constant 1.000000e+00 : f32
    %broadcast_in_dim3A_16 = vector.broadcast %broadcast_in_dim3A : f32 to vector<1x2048xf32>
    %get3A_17 = arith.constant 0 : index
    %get3A_18 = arith.constant 0 : index
    %get3A_19 = vector.load %arg4[%get3A_17, %get3A_18] : memref<2048x256xf32, #tpu.memory_space<vmem>>, vector<2048x256xf32>
    %dot_general3A_20 = arith.constant dense<0.000000e+00> : vector<1x256xf32>
    %dot_general3A_21 = tpu.matmul %broadcast_in_dim3A_16, %get3A_19, %dot_general3A_20 {dimension_numbers = #tpu.dot_dimension_numbers<[1], [0], [0], [1], [0, 0, 1, 1], [], []>, transpose_lhs_hint = false} : vector<1x2048xf32>, vector<2048x256xf32>, vector<1x256xf32> -> vector<1x256xf32>
    %add3A_22 = arith.addf %get3A_15, %dot_general3A_21 : vector<1x256xf32>
    %swap3A_23 = arith.constant 0 : index
    %swap3A_24 = arith.constant 0 : index
    %swap3A_25 = vector.load %arg10[%swap3A_23, %swap3A_24] : memref<1x256xf32, #tpu.memory_space<vmem>>, vector<1x256xf32>
    tpu.vector_store %arg10[%swap3A_23, %swap3A_24], %add3A_22 {strides = array<i32>} : memref<1x256xf32, #tpu.memory_space<vmem>>, vector<1x256xf32>,
    %eq3A_26 = arith.constant 1 : i32
    %eq3A_27 = arith.cmpi eq, %arg0, %eq3A_26 : i32
    %convert_element_type3A_28 = arith.extui %eq3A_27 : i1 to i32
    %cond3A_29 = arith.constant 0 : i32
    %cond3A_30 = arith.cmpi ne, %convert_element_type3A_28, %cond3A_29 : i32
    scf.if %cond3A_30 {
      %get3A_31 = arith.constant 0 : index
      %get3A_32 = arith.constant 0 : index
      %get3A_33 = vector.load %arg2[%get3A_31, %get3A_32] : memref<1x471xf32, #tpu.memory_space<vmem>>, vector<1x471xf32>
      %get3A_34 = arith.constant 0 : index
      %get3A_35 = arith.constant 0 : index
      %get3A_36 = vector.load %arg9[%get3A_34, %get3A_35] : memref<1x471xf32, #tpu.memory_space<vmem>>, vector<1x471xf32>
      %mul3A = arith.constant 0.00212314236 : f32
      %mul3A_37 = vector.broadcast %mul3A : f32 to vector<1x471xf32>
      %mul3A_38 = arith.mulf %mul3A_37, %get3A_36 : vector<1x471xf32>
      %add3A_39 = arith.constant 0.00999999977 : f32
      %add3A_40 = vector.broadcast %add3A_39 : f32 to vector<1x471xf32>
      %add3A_41 = arith.addf %add3A_40, %mul3A_38 : vector<1x471xf32>
      %get3A_42 = arith.constant 0 : index
      %get3A_43 = arith.constant 0 : index
      %get3A_44 = vector.load %arg10[%get3A_42, %get3A_43] : memref<1x256xf32, #tpu.memory_space<vmem>>, vector<1x256xf32>
      %mul3A_45 = arith.constant 2.44140625E-4 : f32
      %mul3A_46 = vector.broadcast %mul3A_45 : f32 to vector<1x256xf32>
      %mul3A_47 = arith.mulf %mul3A_46, %get3A_44 : vector<1x256xf32>
      %get3A_48 = arith.constant 0 : index
      %get3A_49 = arith.constant 0 : index
      %get3A_50 = vector.load %arg6[%get3A_48, %get3A_49] : memref<471x256xf32, #tpu.memory_space<vmem>>, vector<471x256xf32>
      %dot_general3A_51 = arith.constant dense<0.000000e+00> : vector<1x471xf32>
      %dot_general3A_52 = tpu.matmul %mul3A_47, %get3A_50, %dot_general3A_51 {dimension_numbers = #tpu.dot_dimension_numbers<[1], [1], [0], [0], [0, 0, 1, 0], [], []>, transpose_lhs_hint = false} : vector<1x256xf32>, vector<471x256xf32>, vector<1x471xf32> -> vector<1x471xf32>
      %get3A_53 = arith.constant 0 : index
      %get3A_54 = arith.constant 0 : index
      %get3A_55 = vector.load %arg7[%get3A_53, %get3A_54] : memref<1x471xf32, #tpu.memory_space<vmem>>, vector<1x471xf32>
      %add3A_56 = arith.addf %dot_general3A_52, %get3A_55 : vector<1x471xf32>
      %reduce_sum3A = vector.shape_cast %get3A_33 : vector<1x471xf32> to vector<1x1x471xf32>
      %reduce_sum3A_57 = arith.constant dense<0.000000e+00> : vector<1xf32>
      %reduce_sum3A_58 = vector.multi_reduction <add>, %reduce_sum3A, %reduce_sum3A_57 [1, 2] : vector<1x1x471xf32> to vector<1xf32>
      %reduce_sum3A_59 = vector.shape_cast %reduce_sum3A_58 : vector<1xf32> to vector<1x1x1xf32>
      %reduce_sum3A_60 = vector.extract %reduce_sum3A_59[0, 0, 0] : f32 from vector<1x1x1xf32>
      %sub3A = arith.constant 1.000000e+00 : f32
      %sub3A_61 = arith.subf %reduce_sum3A_60, %sub3A : f32
      %mul3A_62 = arith.constant 2.000000e-01 : f32
      %mul3A_63 = arith.mulf %mul3A_62, %sub3A_61 : f32
      %sub3A_64 = arith.subf %get3A_33, %add3A_41 : vector<1x471xf32>
      %mul3A_65 = arith.constant 1.000000e+00 : f32
      %mul3A_66 = vector.broadcast %mul3A_65 : f32 to vector<1x471xf32>
      %mul3A_67 = arith.mulf %mul3A_66, %sub3A_64 : vector<1x471xf32>
      %add3A_68 = arith.addf %add3A_56, %mul3A_67 : vector<1x471xf32>
      %get3A_69 = arith.constant 0 : index
      %get3A_70 = arith.constant 0 : index
      %get3A_71 = vector.load %arg3[%get3A_69, %get3A_70] : memref<1x471xf32, #tpu.memory_space<vmem>>, vector<1x471xf32>
      %add3A_72 = arith.addf %add3A_68, %get3A_71 : vector<1x471xf32>
      %add3A_73 = vector.broadcast %mul3A_63 : f32 to vector<1x471xf32>
      %add3A_74 = arith.addf %add3A_72, %add3A_73 : vector<1x471xf32>
      %min3A = arith.constant 0.000000e+00 : f32
      %min3A_75 = vector.broadcast %min3A : f32 to vector<1x471xf32>
      %min3A_76 = arith.minimumf %min3A_75, %get3A_33 : vector<1x471xf32>
      %mul3A_77 = arith.constant 2.000000e-01 : f32
      %mul3A_78 = vector.broadcast %mul3A_77 : f32 to vector<1x471xf32>
      %mul3A_79 = arith.mulf %mul3A_78, %min3A_76 : vector<1x471xf32>
      %add3A_80 = arith.addf %add3A_74, %mul3A_79 : vector<1x471xf32>
      %mul3A_81 = arith.constant 0.00999999977 : f32
      %mul3A_82 = vector.broadcast %mul3A_81 : f32 to vector<1x471xf32>
      %mul3A_83 = arith.mulf %mul3A_82, %add3A_80 : vector<1x471xf32>
      %sub3A_84 = arith.subf %get3A_33, %mul3A_83 : vector<1x471xf32>
      %max3A = arith.constant 0.000000e+00 : f32
      %max3A_85 = vector.broadcast %max3A : f32 to vector<1x471xf32>
      %max3A_86 = arith.maximumf %sub3A_84, %max3A_85 : vector<1x471xf32>
      %broadcast_in_dim3A_87 = arith.constant -1.000000e+00 : f32
      %broadcast_in_dim3A_88 = vector.broadcast %broadcast_in_dim3A_87 : f32 to vector<1x41xf32>
      %concatenate3A = tpu.concatenate %max3A_86, %broadcast_in_dim3A_88 in 1 : vector<1x471xf32>, vector<1x41xf32> -> vector<1x512xf32>
      %swap3A_89 = arith.constant 0 : index
      %swap3A_90 = arith.constant 0 : index
      %swap3A_91 = vector.load %arg8[%swap3A_89, %swap3A_90] : memref<1x512xf32, #tpu.memory_space<vmem>>, vector<1x512xf32>
      tpu.vector_store %arg8[%swap3A_89, %swap3A_90], %concatenate3A {strides = array<i32>} : memref<1x512xf32, #tpu.memory_space<vmem>>, vector<1x512xf32>,
    } else {
    }
    return
  }
  func.func @transform_0(%arg0: i32) -> (i32, i32) {
    %c0_i32 = arith.constant 0 : i32
    %c0_i32_0 = arith.constant 0 : i32
    return %c0_i32, %arg0 : i32, i32
  }
  func.func @transform_1(%arg0: i32) -> (i32, i32) {
    %c0_i32 = arith.constant 0 : i32
    %c0_i32_0 = arith.constant 0 : i32
    %c0_i32_1 = arith.constant 0 : i32
    return %c0_i32, %c0_i32_0 : i32, i32
  }
  func.func @transform_2(%arg0: i32) -> (i32, i32) {
    %c0_i32 = arith.constant 0 : i32
    %c0_i32_0 = arith.constant 0 : i32
    %c0_i32_1 = arith.constant 0 : i32
    return %c0_i32, %c0_i32_0 : i32, i32
  }
  func.func @transform_3(%arg0: i32) -> (i32, i32) {
    %c0_i32 = arith.constant 0 : i32
    %c0_i32_0 = arith.constant 0 : i32
    return %arg0, %c0_i32 : i32, i32
  }
  func.func @transform_4(%arg0: i32) -> (i32, i32) {
    %c0_i32 = arith.constant 0 : i32
    %c0_i32_0 = arith.constant 0 : i32
    return %arg0, %c0_i32 : i32, i32
  }
  func.func @transform_5(%arg0: i32) -> (i32, i32) {
    %c0_i32 = arith.constant 0 : i32
    %c0_i32_0 = arith.constant 0 : i32
    %c0_i32_1 = arith.constant 0 : i32
    return %c0_i32, %c0_i32_0 : i32, i32
  }
  func.func @transform_6(%arg0: i32) -> (i32, i32) {
    %c0_i32 = arith.constant 0 : i32
    %c0_i32_0 = arith.constant 0 : i32
    %c0_i32_1 = arith.constant 0 : i32
    return %c0_i32, %c0_i32_0 : i32, i32
  }
  func.func @transform_7(%arg0: i32) -> (i32, i32) {
    %c0_i32 = arith.constant 0 : i32
    %c0_i32_0 = arith.constant 0 : i32
    %c0_i32_1 = arith.constant 0 : i32
    return %c0_i32, %c0_i32_0 : i32, i32
  }
}

</mosaic_0001>

<sc_bundles>
// kernel: kernel.4.cloned.1.call-start
scs
__scs_entry_jumppad:
0x0: {  	(pc) =	sbr.rel $0x88, $3  }
0x1: {  	(tag) =	ssettag $0x0;
	lr =	simm.s32 $0x1  }
0x2: {  	[smem:$0x3F9A] =	sst lr;
	_ =	strace $0xD0000000  }
0x3: {  	_ = 	snop  }
0x4: {  	_ = 	snop  }
0x5: {  	_ = 	snop  }
0x6: {  	_ = 	snop  }
0x7: {  	_ = 	snop  }
__scs_overlays_trampoline_lowered:
0x8: {  	[smem:$0x3FA9] =	sst s0  }
0x9: {  	[smem:$0x3FAA] =	sst s1  }
0xa: {  	[smem:$0x3FAB] =	sst s2  }
0xb: {  	[smem:$0x3FAC] =	sst s3  }
0xc: {  	[smem:$0x3FAD] =	sst s4  }
0xd: {  	[smem:$0x3FAE] =	sst s5  }
0xe: {  	[smem:$0x3FAF] =	sst s6  }
0xf: {  	[smem:$0x3FB0] =	sst s7  }
0x10: {  	[smem:$0x3FB1] =	sst s8  }
0x11: {  	[smem:$0x3FB2] =	sst s9;
	s0 =	simm.s32 @!p0 $0x0  }
0x12: {  	s1 =	sld [smem:$0x3F98];
	s0 =	simm.s32 @p0 $0x1  }
0x13: {  	[smem:$0x3FB3] =	sst s0;
	s0 =	simm.s32 @!p1 $0x0  }
0x14: {  	s2 =	sld [smem:$0x3F97];
	s0 =	simm.s32 @p1 $0x1  }
0x15: {  	[smem:$0x3FB4] =	sst s0;
	s0 =	simm.s32 @!p2 $0x0  }
0x16: {  	s3 =	sld [smem:$0x3FDB];
	s0 =	simm.s32 @p2 $0x1  }
0x17: {  	s4 =	simm.s32 $0x1BF5;
	[smem:$0x3FB6] =	sst s0  }
0x18: {  	s0 =	sld [smem:$0x3F99];
	_ =	swait.ge [sflag:s4], $0x0  }
0x19: {  	s7 =	sld [smem:$0x3F9A]  }
0x1a: {  	s8 =	sadd.s32 $0xFFFFE003, lr  }
0x1b: {  	s9 =	sadd.s32 $0xFFFFFEF7, lr;
	s5 =	simm.s32 $0xFFFFFFFF;
	p2 =	slt.u32 s8, $0xFFFFF086  }
0x1c: {  	p1 =	slt.u32 s9, $0xF7A;
	s5 =	simm.s32 @!p2 $0x0  }
0x1d: {  	s5 =	simm.s32 @p1 $0x1;
	p0 =	seq.s32 s7, s2  }
0x1e: {  	s7 =	smul.u32 @!p0 $0xF7A, s2;
	p2 =	seq.s32 @!p0 s5, $0x0  }
0x1f: {  	s9 =	smul.u32 $0xF7A, s1;
	s8 =	simm.s32 @!p0 $0x1BF5;
	p2 =	por !p2, p0  }
0x20: {  	[sflag:s8] =	ssyncset.s32 @!p0 $0xFFFFF086;
	s6 =	sadd.s32 @!p0 s3, s7;
	s7 =	simm.s32 @!p0 $0x108  }
0x21: {  	s3 =	sadd.s32 s3, s9;
	s6 =	sadd.s32 @!p0 $0x88, s6;
	s7 =	simm.s32 @p2 $0x1082  }
0x22: {  	[simem:s7], [sflag:s8] =	dma.local @!p0 [hbm:s6], $0xF7A  }
0x23: {  	s9 =	sor.u32 $0xD0000000, s2;
	s6 =	simm.s32 $0x108;
	_ =	swait.ge @!p0 [sflag:s8], $0x0  }
0x24: {  	s3 =	sadd.s32 $0x88, s3;
	s6 =	simm.s32 @!p1 $0x1082;
	[sflag:s4] =	ssyncset.s32 $0xFFFFF086  }
0x25: {  	[simem:s6], [sflag:s4] =	dma.local [hbm:s3], $0xF7A  }
0x26: {  	[smem:$0x3F9A] =	sst s1;
	(tag) =	ssettag s2;
	_ =	strace s9  }
0x27: {  	s1 =	sld [smem:$0x3FAA]  }
0x28: {  	s2 =	sld [smem:$0x3FAB]  }
0x29: {  	s4 =	sld [smem:$0x3FAD]  }
0x2a: {  	p0 =	seq.s32 s5, $0x0;
	s5 =	sld [smem:$0x3FAE]  }
0x2b: {  	s6 =	sld [smem:$0x3FAF]  }
0x2c: {  	s7 =	sld [smem:$0x3FB0]  }
0x2d: {  	s3 =	simm.s32 $0x108;
	s8 =	sld [smem:$0x3FB1]  }
0x2e: {  	s3 =	simm.s32 @!p0 $0x1082;
	s9 =	sld [smem:$0x3FB2]  }
0x2f: {  	lr =	sadd.s32 s0, s3;
	s0 =	sld [smem:$0x3FA9]  }
0x30: {  	s3 =	sld [smem:$0x3FAC]  }
0x31: {  	[smem:$0x3FB5] =	sst s10  }
0x32: {  	s10 =	sld [smem:$0x3FB3];
	_ =	sdelay $0x3  }
0x33: {  	p0 =	seq.s32 s10, $0x1;
	s10 =	sld [smem:$0x3FB5];
	_ =	sdelay $0x3  }
0x34: {  	[smem:$0x3FB5] =	sst s10  }
0x35: {  	s10 =	sld [smem:$0x3FB4];
	_ =	sdelay $0x3  }
0x36: {  	p1 =	seq.s32 s10, $0x1;
	s10 =	sld [smem:$0x3FB5];
	_ =	sdelay $0x3  }
0x37: {  	[smem:$0x3FB5] =	sst s10  }
0x38: {  	s10 =	sld [smem:$0x3FB6]  }
0x39: {  	_ = 	snop;
	(pc) =	sbr.ind lr, $3  }
0x3a: {  	_ = 	snop  }
0x3b: {  	_ = 	snop  }
0x3c: {  	p2 =	seq.s32 s10, $0x1;
	s10 =	sld [smem:$0x3FB5]  }
0x3d: {  	_ =	shalt  }
0x3e: {  	_ =	shalt  }
0x3f: {  	_ =	shalt  }
0x40: {  	_ =	shalt  }
0x41: {  	_ =	shalt  }
0x42: {  	_ =	shalt  }
0x43: {  	_ =	shalt  }
0x44: {  	_ =	shalt  }
0x45: {  	_ =	shalt  }
0x46: {  	_ =	shalt  }
0x47: {  	_ =	shalt  }
0x48: {  	_ =	shalt  }
0x49: {  	_ =	shalt  }
0x4a: {  	_ =	shalt  }
0x4b: {  	_ =	shalt  }
0x4c: {  	_ =	shalt  }
0x4d: {  	_ =	shalt  }
0x4e: {  	_ =	shalt  }
0x4f: {  	_ =	shalt  }
0x50: {  	_ =	shalt  }
0x51: {  	_ =	shalt  }
0x52: {  	_ =	shalt  }
0x53: {  	_ =	shalt  }
0x54: {  	_ =	shalt  }
0x55: {  	_ =	shalt  }
0x56: {  	_ =	shalt  }
0x57: {  	_ =	shalt  }
0x58: {  	_ =	shalt  }
0x59: {  	_ =	shalt  }
0x5a: {  	_ =	shalt  }
0x5b: {  	_ =	shalt  }
0x5c: {  	_ =	shalt  }
0x5d: {  	_ =	shalt  }
0x5e: {  	_ =	shalt  }
0x5f: {  	_ =	shalt  }
0x60: {  	_ =	shalt  }
0x61: {  	_ =	shalt  }
0x62: {  	_ =	shalt  }
0x63: {  	_ =	shalt  }
0x64: {  	_ =	shalt  }
0x65: {  	_ =	shalt  }
0x66: {  	_ =	shalt  }
0x67: {  	_ =	shalt  }
0x68: {  	_ =	shalt  }
0x69: {  	_ =	shalt  }
0x6a: {  	_ =	shalt  }
0x6b: {  	_ =	shalt  }
0x6c: {  	_ =	shalt  }
0x6d: {  	_ =	shalt  }
0x6e: {  	_ =	shalt  }
0x6f: {  	_ =	shalt  }
0x70: {  	_ =	shalt  }
0x71: {  	_ =	shalt  }
0x72: {  	_ =	shalt  }
0x73: {  	_ =	shalt  }
0x74: {  	_ =	shalt  }
0x75: {  	_ =	shalt  }
0x76: {  	_ =	shalt  }
0x77: {  	_ =	shalt  }
0x78: {  	_ =	shalt  }
0x79: {  	_ =	shalt  }
0x7a: {  	_ =	shalt  }
0x7b: {  	_ =	shalt  }
0x7c: {  	_ =	shalt  }
0x7d: {  	_ =	shalt  }
0x7e: {  	_ =	shalt  }
0x7f: {  	_ =	shalt  }
0x80: {  	_ =	shalt  }
0x81: {  	_ =	shalt  }
0x82: {  	_ =	shalt  }
0x83: {  	_ =	shalt  }
0x84: {  	_ =	shalt  }
0x85: {  	_ =	shalt  }
0x86: {  	_ =	shalt  }
0x87: {  	_ =	shalt  }
.Lfunc_end0:
.L_simem_size_0:
called_computation_lowered:
.L_overlay_start_0:
0x88: {  	s2 =	sld [smem:$0x3FD9]  }
0x89: {  	s3 =	sld [smem:$0x3FFE];
	_ =	sdelay $0x1  }
0x8a: {  	s1 =	srdreg.scid  }
0x8b: {  	s0 =	sand.u32 $0x1, s1  }
0x8c: {  	s15 =	sshll.u32 s0, $0xA;
	s2 =	sadd.s32 s3, s2  }
0x8d: {  	s2 =	sadd.s32 s2, s15  }
0x8e: {  	[smem:$0x3FC1] =	sst s2  }
0x8f: {  	_ = 	snop  }
0x90: {  	s2 =	sld [smem:$0x3FD0];
	_ =	sdelay $0x2  }
0x91: {  	s16 =	simm.s32 $0xA;
	s4 =	simm.s32 $0x10  }
0x92: {  	[smem:s4], [sflag:s16] =	dma.local [hbm:s2], $0x1  }
0x93: {  	_ =	swait.eq [sflag:s16], $0x1  }
0x94: {  	[sflag:s16] =	ssyncset.done $0x0  }
0x95: {  	s17 =	sld [smem:$0x10];
	[sflag:s16] =	ssyncadd.s32 $0xFFFFFFFF  }
0x96: {  	s18 =	sld [smem:$0x11];
	(tm) =	ssettm $0x1  }
0x97: {  	s19 =	sld [smem:$0x3FFB];
	_ =	sdelay $0x3  }
0x98: {  	_ =	strace s19  }
0x99: {  	s4 =	sld [smem:$0x3FFC];
	_ =	sdelay $0x3  }
0x9a: {  	_ =	strace s4  }
0x9b: {  	s4 =	sld [smem:$0x3FFD];
	_ =	sdelay $0x3  }
0x9c: {  	_ =	strace s4  }
0x9d: {  	_ =	strace $0x8FFFFFFF  }
0x9e: {  	s20 =	sld [smem:$0x3FDB];
	_ =	sdelay $0x1  }
0x9f: {  	s5 =	simm.s32 $_scs_section_size  }
0xa0: {  	s6 =	simm.s32 $_size__tile_overlayer_lowered;
	s7 =	simm.s32 $_tile_overlayer_lowered  }
0xa1: {  	s23 =	simm.s32 $0x1BFF;
	s22 =	sshll.u32 s7, $0x1;
	s4 =	sadd.s32 s5, s20  }
0xa2: {  	s8 =	simm.s32 $0x0;
	s21 =	sshll.u32 s6, $0x1;
	s6 =	sadd.s32 s22, s4  }
0xa3: {  	[timem:s8], [sflag:s23] =	dma.local [hbm:s6], s21  }
0xa4: {  	_ =	swait.ge [sflag:s23], s21  }
0xa5: {  	s5 =	ssub.s32 $0x0, s21;
	[sflag:s23] =	ssyncset.done $0x0  }
0xa6: {  	[sflag:s23] =	ssyncadd.s32 s5;
	_ =	sdelay $0x1  }
0xa7: {  	s24 =	simm.s32 $0x1B8B  }
0xa8: {  	_ =	swait.ge [sflag:s24], $0x1  }
0xa9: {  	[sflag:s24] =	ssyncset.done $0x0  }
0xaa: {  	s25 =	simm.s32 $0x1B8E;
	[sflag:s24] =	ssyncadd.s32 $0xFFFFFFFF  }
0xab: {  	s26 =	simm.s32 $execute0_lowered;
	[smem:$0x3FD2] =	sst s25  }
0xac: {  	s5 =	sshll.u32 s26, $0x1;
	_ =	strace $0x80000046;
	[dreg:$0x1] =	wrdreg $0xFFFFFFFF  }
0xad: {  	s28 =	simm.s32 $_size_execute0_lowered;
	s4 =	sadd.s32 s4, s5;
	[dreg:$0x0] =	wrdreg $0x0  }
0xae: {  	s5 =	sshll.u32 s28, $0x1;
	[dreg:$0x2] =	wrdreg s4  }
0xaf: {  	[dreg:$0x3] =	wrdreg s5  }
0xb0: {  	[dreg:$0x4] =	wrdreg $0xC0  }
0xb1: {  	_ =	task [dreg:s8], $0x5FFFF  }
0xb2: {  	[dreg:$0x1] =	wrdreg $0xFFFFFFFF  }
0xb3: {  	[dreg:$0x0] =	wrdreg $0x60  }
0xb4: {  	[dreg:$0x2] =	wrdreg s18  }
0xb5: {  	[dreg:$0x3] =	wrdreg s17  }
0xb6: {  	[dreg:$0x4] =	wrdreg $0x9  }
0xb7: {  	_ =	task.clear_ibuf [dreg:s8], $0x5FFFF;
	_ =	strace $0x90000046  }
0xb8: {  	s29 =	simm.s32 $0x9;
	_ =	strace $0x80000048  }
0xb9: {  	_ =	swait.ge [sflag:s29], $0x1  }
0xba: {  	[sflag:s29] =	ssyncadd.s32 $0xFFFFFFFF  }
0xbb: {  	_ =	strace $0x90000048  }
0xbc: {  	_ =	sfence  }
0xbd: {  	s30 =	sld [smem:$0x0];
	_ =	sdelay $0x2  }
0xbe: {  	s31 =	sshll.u32 s1, $0xD;
	s1 =	sshrl.u32 s1, $0x2  }
0xbf: {  	s3 =	sand.u32 $0x4000, s31;
	s1 =	sadd.s32 s1, s30  }
0xc0: {  	s0 =	sor.u32 s3, s0;
	s1 =	sshll.u32 s1, $0x11  }
0xc1: {  	s0 =	sor.u32 s1, s0  }
0xc2: {  	s0 =	sadd.s32 $0x8F2B, s0  }
0xc3: {  	[sflag:s0] =	ssyncadd.remote.s32 $0x1  }
0xc4: {  	_ =	sfence.sel $0xFFFF  }
0xc5: {  	[dreg:$0x0] =	wrdreg $0xFFFFFFFF;
	(pc) =	sbr.abs _section_cstart, $3  }
0xc6: {  	[dreg:$0x1] =	wrdreg $0xFFFFFFFF  }
0xc7: {  	_ =	task.clear_ibuf [dreg:s8], $0x2FFFF;
	_ =	strace $0x9FFFFFFF  }
0xc8: {  	(tm) =	ssettm $0x7FFFFFFF  }
0xc9: {  	_ =	shalt  }
tec
execute0_lowered:
.L_overlay_start_1:
0x0: {  	(tag) =	ssettag $0x1  }
0x1: {  	s2 =	rddreg [dreg:$0x0]  }
0x2: {  	s5 =	rddreg [dreg:$0x1];
	s3 =	srdreg.scid  }
0x3: {  	s0 =	rddreg [dreg:$0x2];
	s1 =	stileid.u32;
	s3 =	sand.u32 $0x1, s3  }
0x4: {  	s9 =	simm.s32 $0x0;
	s4 =	sshll.u32 s1, $0x5;
	s6 =	ssub.s32 $0x2, s3  }
0x5: {  	s7 =	sshll.u32 s3, $0x4;
	s3 =	simm.s32 $0x0;
	s8 =	sshrl.u32 s6, $0x1  }
0x6: {  	s4 =	sor.u32 s7, s4;
	[smem:$0x7FF] =	sst s3;
	s6 =	ssub.s32 s6, s8  }
0x7: {  	s7 =	sshrl.u32 s4, $0x3;
	_ =	strace $0x80000047;
	s8 =	simm.s32 $0x200  }
0x8: {  	v0 =	vimm.f32 $0.0e+00;
	s5 =	sadd.s32 s5, s7;
	s6 =	smax.u32 s6, $0x1;
	s7 =	simm.s32 $0x1  }
.LBB2_1:
0x9: {  	[tilespmem:s3], [sflag:$0x1] =	stream.linear.gather [hbm4b:s2+s3], $0x200, $0x38;
	[tilespmem:$0x280] =	vst v63  }
0xa: {  	_ =	swait.ge [sflag:s7], $0x200  }
0xb: {  	[sflag:s7] =	ssyncset.done $0x0  }
0xc: {  	s10 =	simm.s32 $0x20;
	[sflag:s7] =	ssyncadd.s32 $0xFFFFFE00  }
0xd: {  	v2 =	vld [tilespmem:s10+$0xFFFFFFE0];
	_ =	sdelay $0x1  }
0xe: {  	v1 =	vld [tilespmem:s4+$0x0];
	_ =	sdelay $0x2  }
0xf: {  	v3 =	vbroadcast v2, $0x0;
	_ =	sdelay $0x1  }
0x10: {  	vm0 =	vgt.f32 v3, v1;
	v3 =	vbroadcast v2, $0x1  }
0x11: {  	v4 =	vsel vm0, $0x3F800000, v0  }
0x12: {  	v4 =	vadd.f32 v4, v0;
	vm0 =	vgt.f32 v3, v1;
	v3 =	vbroadcast v2, $0x2  }
0x13: {  	v5 =	vsel vm0, $0x3F800000, v0  }
0x14: {  	v4 =	vadd.f32 v4, v5;
	vm0 =	vgt.f32 v3, v1;
	v3 =	vbroadcast v2, $0x3  }
0x15: {  	v5 =	vsel vm0, $0x3F800000, v0  }
0x16: {  	v4 =	vadd.f32 v4, v5;
	vm0 =	vgt.f32 v3, v1;
	v3 =	vbroadcast v2, $0x4  }
0x17: {  	v5 =	vsel vm0, $0x3F800000, v0  }
0x18: {  	v4 =	vadd.f32 v4, v5;
	vm0 =	vgt.f32 v3, v1;
	v3 =	vbroadcast v2, $0x5  }
0x19: {  	v5 =	vsel vm0, $0x3F800000, v0  }
0x1a: {  	v4 =	vadd.f32 v4, v5;
	vm0 =	vgt.f32 v3, v1;
	v3 =	vbroadcast v2, $0x6  }
0x1b: {  	v5 =	vsel vm0, $0x3F800000, v0  }
0x1c: {  	v4 =	vadd.f32 v4, v5;
	vm0 =	vgt.f32 v3, v1;
	v3 =	vbroadcast v2, $0x7  }
0x1d: {  	v5 =	vsel vm0, $0x3F800000, v0  }
0x1e: {  	v4 =	vadd.f32 v4, v5;
	vm0 =	vgt.f32 v3, v1;
	v3 =	vbroadcast v2, $0x8  }
0x1f: {  	v5 =	vsel vm0, $0x3F800000, v0  }
0x20: {  	v4 =	vadd.f32 v4, v5;
	vm0 =	vgt.f32 v3, v1;
	v3 =	vbroadcast v2, $0x9  }
0x21: {  	v5 =	vsel vm0, $0x3F800000, v0  }
0x22: {  	v4 =	vadd.f32 v4, v5;
	vm0 =	vgt.f32 v3, v1;
	v3 =	vbroadcast v2, $0xA  }
0x23: {  	v5 =	vsel vm0, $0x3F800000, v0  }
0x24: {  	v4 =	vadd.f32 v4, v5;
	vm0 =	vgt.f32 v3, v1;
	v3 =	vbroadcast v2, $0xB  }
0x25: {  	v5 =	vsel vm0, $0x3F800000, v0  }
0x26: {  	v4 =	vadd.f32 v4, v5;
	vm0 =	vgt.f32 v3, v1;
	v3 =	vbroadcast v2, $0xC  }
0x27: {  	v5 =	vsel vm0, $0x3F800000, v0  }
0x28: {  	v4 =	vadd.f32 v4, v5;
	vm0 =	vgt.f32 v3, v1;
	v3 =	vbroadcast v2, $0xD  }
0x29: {  	v6 =	vld [tilespmem:s10+$0xFFFFFFF0];
	v5 =	vsel vm0, $0x3F800000, v0  }
0x2a: {  	v4 =	vadd.f32 v4, v5;
	vm0 =	vgt.f32 v3, v1;
	v3 =	vbroadcast v2, $0xE  }
0x2b: {  	v5 =	vsel vm0, $0x3F800000, v0  }
0x2c: {  	v2 =	vbroadcast v2, $0xF;
	v4 =	vadd.f32 v4, v5;
	vm0 =	vgt.f32 v3, v1  }
0x2d: {  	v3 =	vsel vm0, $0x3F800000, v0  }
0x2e: {  	vm0 =	vgt.f32 v2, v1;
	v2 =	vbroadcast v6, $0x0;
	v3 =	vadd.f32 v4, v3  }
0x2f: {  	v4 =	vsel vm0, $0x3F800000, v0  }
0x30: {  	vm0 =	vgt.f32 v2, v1;
	v2 =	vbroadcast v6, $0x1;
	v3 =	vadd.f32 v3, v4  }
0x31: {  	v4 =	vsel vm0, $0x3F800000, v0  }
0x32: {  	vm0 =	vgt.f32 v2, v1;
	v2 =	vbroadcast v6, $0x2;
	v3 =	vadd.f32 v3, v4  }
0x33: {  	v4 =	vsel vm0, $0x3F800000, v0  }
0x34: {  	vm0 =	vgt.f32 v2, v1;
	v2 =	vbroadcast v6, $0x3;
	v3 =	vadd.f32 v3, v4  }
0x35: {  	v4 =	vsel vm0, $0x3F800000, v0  }
0x36: {  	vm0 =	vgt.f32 v2, v1;
	v2 =	vbroadcast v6, $0x4;
	v3 =	vadd.f32 v3, v4  }
0x37: {  	v4 =	vsel vm0, $0x3F800000, v0  }
0x38: {  	vm0 =	vgt.f32 v2, v1;
	v2 =	vbroadcast v6, $0x5;
	v3 =	vadd.f32 v3, v4  }
0x39: {  	v4 =	vsel vm0, $0x3F800000, v0  }
0x3a: {  	vm0 =	vgt.f32 v2, v1;
	v2 =	vbroadcast v6, $0x6;
	v3 =	vadd.f32 v3, v4  }
0x3b: {  	v4 =	vsel vm0, $0x3F800000, v0  }
0x3c: {  	vm0 =	vgt.f32 v2, v1;
	v2 =	vbroadcast v6, $0x7;
	v3 =	vadd.f32 v3, v4  }
0x3d: {  	v4 =	vsel vm0, $0x3F800000, v0  }
0x3e: {  	vm0 =	vgt.f32 v2, v1;
	v2 =	vbroadcast v6, $0x8;
	v3 =	vadd.f32 v3, v4  }
0x3f: {  	v4 =	vsel vm0, $0x3F800000, v0  }
0x40: {  	vm0 =	vgt.f32 v2, v1;
	v2 =	vbroadcast v6, $0x9;
	v3 =	vadd.f32 v3, v4  }
0x41: {  	v4 =	vsel vm0, $0x3F800000, v0  }
0x42: {  	vm0 =	vgt.f32 v2, v1;
	v2 =	vbroadcast v6, $0xA;
	v3 =	vadd.f32 v3, v4  }
0x43: {  	v4 =	vsel vm0, $0x3F800000, v0  }
0x44: {  	vm0 =	vgt.f32 v2, v1;
	v2 =	vbroadcast v6, $0xB;
	v3 =	vadd.f32 v3, v4  }
0x45: {  	v4 =	vsel vm0, $0x3F800000, v0  }
0x46: {  	vm0 =	vgt.f32 v2, v1;
	v2 =	vbroadcast v6, $0xC;
	v3 =	vadd.f32 v3, v4  }
0x47: {  	v4 =	vsel vm0, $0x3F800000, v0  }
0x48: {  	vm0 =	vgt.f32 v2, v1;
	v2 =	vbroadcast v6, $0xD;
	v3 =	vadd.f32 v3, v4  }
0x49: {  	v5 =	vld [tilespmem:s10+$0x0];
	v4 =	vsel vm0, $0x3F800000, v0  }
0x4a: {  	vm0 =	vgt.f32 v2, v1;
	v2 =	vbroadcast v6, $0xE;
	v3 =	vadd.f32 v3, v4  }
0x4b: {  	v4 =	vsel vm0, $0x3F800000, v0  }
0x4c: {  	vm0 =	vgt.f32 v2, v1;
	v2 =	vbroadcast v6, $0xF;
	v3 =	vadd.f32 v3, v4  }
0x4d: {  	v4 =	vsel vm0, $0x3F800000, v0  }
0x4e: {  	vm0 =	vgt.f32 v2, v1;
	v2 =	vbroadcast v5, $0x0;
	v3 =	vadd.f32 v3, v4  }
0x4f: {  	v4 =	vsel vm0, $0x3F800000, v0  }
0x50: {  	vm0 =	vgt.f32 v2, v1;
	v2 =	vbroadcast v5, $0x1;
	v3 =	vadd.f32 v3, v4  }
0x51: {  	v4 =	vsel vm0, $0x3F800000, v0  }
0x52: {  	vm0 =	vgt.f32 v2, v1;
	v2 =	vbroadcast v5, $0x2;
	v3 =	vadd.f32 v3, v4  }
0x53: {  	v4 =	vsel vm0, $0x3F800000, v0  }
0x54: {  	vm0 =	vgt.f32 v2, v1;
	v2 =	vbroadcast v5, $0x3;
	v3 =	vadd.f32 v3, v4  }
0x55: {  	v4 =	vsel vm0, $0x3F800000, v0  }
0x56: {  	vm0 =	vgt.f32 v2, v1;
	v2 =	vbroadcast v5, $0x4;
	v3 =	vadd.f32 v3, v4  }
0x57: {  	v4 =	vsel vm0, $0x3F800000, v0  }
0x58: {  	vm0 =	vgt.f32 v2, v1;
	v2 =	vbroadcast v5, $0x5;
	v3 =	vadd.f32 v3, v4  }
0x59: {  	v4 =	vsel vm0, $0x3F800000, v0  }
0x5a: {  	vm0 =	vgt.f32 v2, v1;
	v2 =	vbroadcast v5, $0x6;
	v3 =	vadd.f32 v3, v4  }
0x5b: {  	v4 =	vsel vm0, $0x3F800000, v0  }
0x5c: {  	vm0 =	vgt.f32 v2, v1;
	v2 =	vbroadcast v5, $0x7;
	v3 =	vadd.f32 v3, v4  }
0x5d: {  	v4 =	vsel vm0, $0x3F800000, v0  }
0x5e: {  	vm0 =	vgt.f32 v2, v1;
	v2 =	vbroadcast v5, $0x8;
	v3 =	vadd.f32 v3, v4  }
0x5f: {  	v4 =	vsel vm0, $0x3F800000, v0  }
0x60: {  	vm0 =	vgt.f32 v2, v1;
	v2 =	vbroadcast v5, $0x9;
	v3 =	vadd.f32 v3, v4  }
0x61: {  	v4 =	vsel vm0, $0x3F800000, v0  }
0x62: {  	vm0 =	vgt.f32 v2, v1;
	v2 =	vbroadcast v5, $0xA;
	v3 =	vadd.f32 v3, v4  }
0x63: {  	v4 =	vsel vm0, $0x3F800000, v0  }
0x64: {  	vm0 =	vgt.f32 v2, v1;
	v2 =	vbroadcast v5, $0xB;
	v3 =	vadd.f32 v3, v4  }
0x65: {  	v4 =	vsel vm0, $0x3F800000, v0  }
0x66: {  	vm0 =	vgt.f32 v2, v1;
	v2 =	vbroadcast v5, $0xC;
	v3 =	vadd.f32 v3, v4  }
0x67: {  	v4 =	vsel vm0, $0x3F800000, v0  }
0x68: {  	vm0 =	vgt.f32 v2, v1;
	v2 =	vbroadcast v5, $0xD;
	v3 =	vadd.f32 v3, v4  }
0x69: {  	v6 =	vld [tilespmem:s10+$0x10];
	v4 =	vsel vm0, $0x3F800000, v0  }
0x6a: {  	vm0 =	vgt.f32 v2, v1;
	v2 =	vbroadcast v5, $0xE;
	v3 =	vadd.f32 v3, v4  }
0x6b: {  	v4 =	vsel vm0, $0x3F800000, v0  }
0x6c: {  	vm0 =	vgt.f32 v2, v1;
	v2 =	vbroadcast v5, $0xF;
	v3 =	vadd.f32 v3, v4  }
0x6d: {  	v4 =	vsel vm0, $0x3F800000, v0  }
0x6e: {  	vm0 =	vgt.f32 v2, v1;
	v2 =	vbroadcast v6, $0x0;
	v3 =	vadd.f32 v3, v4  }
0x6f: {  	v4 =	vsel vm0, $0x3F800000, v0  }
0x70: {  	vm0 =	vgt.f32 v2, v1;
	v2 =	vbroadcast v6, $0x1;
	v3 =	vadd.f32 v3, v4  }
0x71: {  	v4 =	vsel vm0, $0x3F800000, v0  }
0x72: {  	vm0 =	vgt.f32 v2, v1;
	v2 =	vbroadcast v6, $0x2;
	v3 =	vadd.f32 v3, v4  }
0x73: {  	v4 =	vsel vm0, $0x3F800000, v0  }
0x74: {  	vm0 =	vgt.f32 v2, v1;
	v2 =	vbroadcast v6, $0x3;
	v3 =	vadd.f32 v3, v4  }
0x75: {  	v4 =	vsel vm0, $0x3F800000, v0  }
0x76: {  	vm0 =	vgt.f32 v2, v1;
	v2 =	vbroadcast v6, $0x4;
	v3 =	vadd.f32 v3, v4  }
0x77: {  	v4 =	vsel vm0, $0x3F800000, v0  }
0x78: {  	vm0 =	vgt.f32 v2, v1;
	v2 =	vbroadcast v6, $0x5;
	v3 =	vadd.f32 v3, v4  }
0x79: {  	v4 =	vsel vm0, $0x3F800000, v0  }
0x7a: {  	vm0 =	vgt.f32 v2, v1;
	v2 =	vbroadcast v6, $0x6;
	v3 =	vadd.f32 v3, v4  }
0x7b: {  	v4 =	vsel vm0, $0x3F800000, v0  }
0x7c: {  	vm0 =	vgt.f32 v2, v1;
	v2 =	vbroadcast v6, $0x7;
	v3 =	vadd.f32 v3, v4  }
0x7d: {  	v4 =	vsel vm0, $0x3F800000, v0  }
0x7e: {  	vm0 =	vgt.f32 v2, v1;
	v2 =	vbroadcast v6, $0x8;
	v3 =	vadd.f32 v3, v4  }
0x7f: {  	v4 =	vsel vm0, $0x3F800000, v0  }
0x80: {  	vm0 =	vgt.f32 v2, v1;
	v2 =	vbroadcast v6, $0x9;
	v3 =	vadd.f32 v3, v4  }
0x81: {  	v4 =	vsel vm0, $0x3F800000, v0  }
0x82: {  	vm0 =	vgt.f32 v2, v1;
	v2 =	vbroadcast v6, $0xA;
	v3 =	vadd.f32 v3, v4  }
0x83: {  	v4 =	vsel vm0, $0x3F800000, v0  }
0x84: {  	vm0 =	vgt.f32 v2, v1;
	v2 =	vbroadcast v6, $0xB;
	v3 =	vadd.f32 v3, v4  }
0x85: {  	v4 =	vsel vm0, $0x3F800000, v0  }
0x86: {  	vm0 =	vgt.f32 v2, v1;
	v2 =	vbroadcast v6, $0xC;
	v3 =	vadd.f32 v3, v4  }
0x87: {  	v4 =	vsel vm0, $0x3F800000, v0  }
0x88: {  	vm0 =	vgt.f32 v2, v1;
	v3 =	vadd.f32 v3, v4;
	v4 =	vbroadcast v6, $0xD  }
0x89: {  	v2 =	vld [tilespmem:s10+$0x20];
	v5 =	vsel vm0, $0x3F800000, v0  }
0x8a: {  	v3 =	vadd.f32 v3, v5;
	vm0 =	vgt.f32 v4, v1;
	v4 =	vbroadcast v6, $0xE  }
0x8b: {  	v5 =	vsel vm0, $0x3F800000, v0  }
0x8c: {  	v3 =	vadd.f32 v3, v5;
	vm0 =	vgt.f32 v4, v1;
	v4 =	vbroadcast v6, $0xF  }
0x8d: {  	v5 =	vsel vm0, $0x3F800000, v0  }
0x8e: {  	v3 =	vadd.f32 v3, v5;
	vm0 =	vgt.f32 v4, v1;
	v4 =	vbroadcast v2, $0x0  }
0x8f: {  	v5 =	vsel vm0, $0x3F800000, v0  }
0x90: {  	v3 =	vadd.f32 v3, v5;
	vm0 =	vgt.f32 v4, v1;
	v4 =	vbroadcast v2, $0x1  }
0x91: {  	v5 =	vsel vm0, $0x3F800000, v0  }
0x92: {  	v3 =	vadd.f32 v3, v5;
	vm0 =	vgt.f32 v4, v1;
	v4 =	vbroadcast v2, $0x2  }
0x93: {  	v5 =	vsel vm0, $0x3F800000, v0  }
0x94: {  	v3 =	vadd.f32 v3, v5;
	vm0 =	vgt.f32 v4, v1;
	v4 =	vbroadcast v2, $0x3  }
0x95: {  	v5 =	vsel vm0, $0x3F800000, v0  }
0x96: {  	v3 =	vadd.f32 v3, v5;
	vm0 =	vgt.f32 v4, v1;
	v4 =	vbroadcast v2, $0x4  }
0x97: {  	v5 =	vsel vm0, $0x3F800000, v0  }
0x98: {  	v3 =	vadd.f32 v3, v5;
	vm0 =	vgt.f32 v4, v1;
	v4 =	vbroadcast v2, $0x5  }
0x99: {  	v5 =	vsel vm0, $0x3F800000, v0  }
0x9a: {  	v3 =	vadd.f32 v3, v5;
	vm0 =	vgt.f32 v4, v1;
	v4 =	vbroadcast v2, $0x6  }
0x9b: {  	v5 =	vsel vm0, $0x3F800000, v0  }
0x9c: {  	v3 =	vadd.f32 v3, v5;
	vm0 =	vgt.f32 v4, v1;
	v4 =	vbroadcast v2, $0x7  }
0x9d: {  	v5 =	vsel vm0, $0x3F800000, v0  }
0x9e: {  	v3 =	vadd.f32 v3, v5;
	vm0 =	vgt.f32 v4, v1;
	v4 =	vbroadcast v2, $0x8  }
0x9f: {  	v5 =	vsel vm0, $0x3F800000, v0  }
0xa0: {  	v3 =	vadd.f32 v3, v5;
	vm0 =	vgt.f32 v4, v1;
	v4 =	vbroadcast v2, $0x9  }
0xa1: {  	v5 =	vsel vm0, $0x3F800000, v0  }
0xa2: {  	v3 =	vadd.f32 v3, v5;
	vm0 =	vgt.f32 v4, v1;
	v4 =	vbroadcast v2, $0xA  }
0xa3: {  	v5 =	vsel vm0, $0x3F800000, v0  }
0xa4: {  	v3 =	vadd.f32 v3, v5;
	vm0 =	vgt.f32 v4, v1;
	v4 =	vbroadcast v2, $0xB  }
0xa5: {  	v5 =	vsel vm0, $0x3F800000, v0  }
0xa6: {  	v3 =	vadd.f32 v3, v5;
	vm0 =	vgt.f32 v4, v1;
	v4 =	vbroadcast v2, $0xC  }
0xa7: {  	v5 =	vsel vm0, $0x3F800000, v0  }
0xa8: {  	s11 =	simm.s32 $0x70;
	s10 =	simm.s32 $0x0;
	v3 =	vadd.f32 v3, v5;
	vm0 =	vgt.f32 v4, v1;
	v4 =	vbroadcast v2, $0xD  }
.LBB2_2:
0xa9: {  	v5 =	vld [tilespmem:s11+$0xFFFFFFE0];
	s10 =	sadd.s32 $0x5, s10;
	v6 =	vsel vm0, $0x3F800000, v0  }
0xaa: {  	p0 =	slt.u32 s10, $0x19;
	v3 =	vadd.f32 v3, v6;
	vm0 =	vgt.f32 v4, v1;
	v4 =	vbroadcast v2, $0xE  }
0xab: {  	v6 =	vsel vm0, $0x3F800000, v0  }
0xac: {  	v2 =	vbroadcast v2, $0xF;
	v3 =	vadd.f32 v3, v6;
	vm0 =	vgt.f32 v4, v1  }
0xad: {  	v4 =	vsel vm0, $0x3F800000, v0  }
0xae: {  	vm0 =	vgt.f32 v2, v1;
	v6 =	vbroadcast v5, $0x0;
	v3 =	vadd.f32 v3, v4  }
0xaf: {  	v2 =	vsel vm0, $0x3F800000, v0  }
0xb0: {  	v4 =	vbroadcast v5, $0x1;
	vm0 =	vgt.f32 v6, v1;
	v2 =	vadd.f32 v3, v2  }
0xb1: {  	v3 =	vsel vm0, $0x3F800000, v0  }
0xb2: {  	vm0 =	vgt.f32 v4, v1;
	v2 =	vadd.f32 v3, v2;
	v3 =	vbroadcast v5, $0x2  }
0xb3: {  	v4 =	vsel vm0, $0x3F800000, v0  }
0xb4: {  	v2 =	vadd.f32 v2, v4;
	vm0 =	vgt.f32 v3, v1;
	v3 =	vbroadcast v5, $0x3  }
0xb5: {  	v4 =	vsel vm0, $0x3F800000, v0  }
0xb6: {  	v2 =	vadd.f32 v2, v4;
	vm0 =	vgt.f32 v3, v1;
	v3 =	vbroadcast v5, $0x4  }
0xb7: {  	v4 =	vsel vm0, $0x3F800000, v0  }
0xb8: {  	v2 =	vadd.f32 v2, v4;
	vm0 =	vgt.f32 v3, v1;
	v3 =	vbroadcast v5, $0x5  }
0xb9: {  	v4 =	vsel vm0, $0x3F800000, v0  }
0xba: {  	v2 =	vadd.f32 v2, v4;
	vm0 =	vgt.f32 v3, v1;
	v3 =	vbroadcast v5, $0x6  }
0xbb: {  	v4 =	vsel vm0, $0x3F800000, v0  }
0xbc: {  	v2 =	vadd.f32 v2, v4;
	vm0 =	vgt.f32 v3, v1;
	v3 =	vbroadcast v5, $0x7  }
0xbd: {  	v4 =	vsel vm0, $0x3F800000, v0  }
0xbe: {  	v2 =	vadd.f32 v2, v4;
	vm0 =	vgt.f32 v3, v1;
	v3 =	vbroadcast v5, $0x8  }
0xbf: {  	v4 =	vsel vm0, $0x3F800000, v0  }
0xc0: {  	v2 =	vadd.f32 v2, v4;
	vm0 =	vgt.f32 v3, v1;
	v3 =	vbroadcast v5, $0x9  }
0xc1: {  	v4 =	vsel vm0, $0x3F800000, v0  }
0xc2: {  	v2 =	vadd.f32 v2, v4;
	vm0 =	vgt.f32 v3, v1;
	v3 =	vbroadcast v5, $0xA  }
0xc3: {  	v4 =	vsel vm0, $0x3F800000, v0  }
0xc4: {  	v2 =	vadd.f32 v2, v4;
	vm0 =	vgt.f32 v3, v1;
	v3 =	vbroadcast v5, $0xB  }
0xc5: {  	v4 =	vsel vm0, $0x3F800000, v0  }
0xc6: {  	v2 =	vadd.f32 v2, v4;
	vm0 =	vgt.f32 v3, v1;
	v3 =	vbroadcast v5, $0xC  }
0xc7: {  	v4 =	vsel vm0, $0x3F800000, v0  }
0xc8: {  	v2 =	vadd.f32 v2, v4;
	vm0 =	vgt.f32 v3, v1;
	v3 =	vbroadcast v5, $0xD  }
0xc9: {  	v4 =	vsel vm0, $0x3F800000, v0;
	v6 =	vld [tilespmem:s11+$0xFFFFFFF0]  }
0xca: {  	v2 =	vadd.f32 v2, v4;
	vm0 =	vgt.f32 v3, v1;
	v3 =	vbroadcast v5, $0xE  }
0xcb: {  	v4 =	vsel vm0, $0x3F800000, v0  }
0xcc: {  	v2 =	vadd.f32 v2, v4;
	vm0 =	vgt.f32 v3, v1;
	v3 =	vbroadcast v5, $0xF  }
0xcd: {  	v4 =	vsel vm0, $0x3F800000, v0  }
0xce: {  	v2 =	vadd.f32 v2, v4;
	vm0 =	vgt.f32 v3, v1;
	v3 =	vbroadcast v6, $0x0  }
0xcf: {  	v4 =	vsel vm0, $0x3F800000, v0  }
0xd0: {  	v2 =	vadd.f32 v2, v4;
	vm0 =	vgt.f32 v3, v1;
	v3 =	vbroadcast v6, $0x1  }
0xd1: {  	v4 =	vsel vm0, $0x3F800000, v0  }
0xd2: {  	v2 =	vadd.f32 v2, v4;
	vm0 =	vgt.f32 v3, v1;
	v3 =	vbroadcast v6, $0x2  }
0xd3: {  	v4 =	vsel vm0, $0x3F800000, v0  }
0xd4: {  	v2 =	vadd.f32 v2, v4;
	vm0 =	vgt.f32 v3, v1;
	v3 =	vbroadcast v6, $0x3  }
0xd5: {  	v4 =	vsel vm0, $0x3F800000, v0  }
0xd6: {  	v2 =	vadd.f32 v2, v4;
	vm0 =	vgt.f32 v3, v1;
	v3 =	vbroadcast v6, $0x4  }
0xd7: {  	v4 =	vsel vm0, $0x3F800000, v0  }
0xd8: {  	v2 =	vadd.f32 v2, v4;
	vm0 =	vgt.f32 v3, v1;
	v3 =	vbroadcast v6, $0x5  }
0xd9: {  	v4 =	vsel vm0, $0x3F800000, v0  }
0xda: {  	v2 =	vadd.f32 v2, v4;
	vm0 =	vgt.f32 v3, v1;
	v3 =	vbroadcast v6, $0x6  }
0xdb: {  	v4 =	vsel vm0, $0x3F800000, v0  }
0xdc: {  	v2 =	vadd.f32 v2, v4;
	vm0 =	vgt.f32 v3, v1;
	v3 =	vbroadcast v6, $0x7  }
0xdd: {  	v4 =	vsel vm0, $0x3F800000, v0  }
0xde: {  	v2 =	vadd.f32 v2, v4;
	vm0 =	vgt.f32 v3, v1;
	v3 =	vbroadcast v6, $0x8  }
0xdf: {  	v4 =	vsel vm0, $0x3F800000, v0  }
0xe0: {  	v2 =	vadd.f32 v2, v4;
	vm0 =	vgt.f32 v3, v1;
	v3 =	vbroadcast v6, $0x9  }
0xe1: {  	v4 =	vsel vm0, $0x3F800000, v0  }
0xe2: {  	v2 =	vadd.f32 v2, v4;
	vm0 =	vgt.f32 v3, v1;
	v3 =	vbroadcast v6, $0xA  }
0xe3: {  	v4 =	vsel vm0, $0x3F800000, v0  }
0xe4: {  	v2 =	vadd.f32 v2, v4;
	vm0 =	vgt.f32 v3, v1;
	v3 =	vbroadcast v6, $0xB  }
0xe5: {  	v4 =	vsel vm0, $0x3F800000, v0  }
0xe6: {  	v2 =	vadd.f32 v2, v4;
	vm0 =	vgt.f32 v3, v1;
	v3 =	vbroadcast v6, $0xC  }
0xe7: {  	v4 =	vsel vm0, $0x3F800000, v0  }
0xe8: {  	v2 =	vadd.f32 v2, v4;
	vm0 =	vgt.f32 v3, v1;
	v3 =	vbroadcast v6, $0xD  }
0xe9: {  	v4 =	vsel vm0, $0x3F800000, v0;
	v5 =	vld [tilespmem:s11+$0x0]  }
0xea: {  	v2 =	vadd.f32 v2, v4;
	vm0 =	vgt.f32 v3, v1;
	v3 =	vbroadcast v6, $0xE  }
0xeb: {  	v4 =	vsel vm0, $0x3F800000, v0  }
0xec: {  	v2 =	vadd.f32 v2, v4;
	vm0 =	vgt.f32 v3, v1;
	v3 =	vbroadcast v6, $0xF  }
0xed: {  	v4 =	vsel vm0, $0x3F800000, v0  }
0xee: {  	v2 =	vadd.f32 v2, v4;
	vm0 =	vgt.f32 v3, v1;
	v3 =	vbroadcast v5, $0x0  }
0xef: {  	v4 =	vsel vm0, $0x3F800000, v0  }
0xf0: {  	v2 =	vadd.f32 v2, v4;
	vm0 =	vgt.f32 v3, v1;
	v3 =	vbroadcast v5, $0x1  }
0xf1: {  	v4 =	vsel vm0, $0x3F800000, v0  }
0xf2: {  	v2 =	vadd.f32 v2, v4;
	vm0 =	vgt.f32 v3, v1;
	v3 =	vbroadcast v5, $0x2  }
0xf3: {  	v4 =	vsel vm0, $0x3F800000, v0  }
0xf4: {  	v2 =	vadd.f32 v2, v4;
	vm0 =	vgt.f32 v3, v1;
	v3 =	vbroadcast v5, $0x3  }
0xf5: {  	v4 =	vsel vm0, $0x3F800000, v0  }
0xf6: {  	v2 =	vadd.f32 v2, v4;
	vm0 =	vgt.f32 v3, v1;
	v3 =	vbroadcast v5, $0x4  }
0xf7: {  	v4 =	vsel vm0, $0x3F800000, v0  }
0xf8: {  	v2 =	vadd.f32 v2, v4;
	vm0 =	vgt.f32 v3, v1;
	v3 =	vbroadcast v5, $0x5  }
0xf9: {  	v4 =	vsel vm0, $0x3F800000, v0  }
0xfa: {  	v2 =	vadd.f32 v2, v4;
	vm0 =	vgt.f32 v3, v1;
	v3 =	vbroadcast v5, $0x6  }
0xfb: {  	v4 =	vsel vm0, $0x3F800000, v0  }
0xfc: {  	v2 =	vadd.f32 v2, v4;
	vm0 =	vgt.f32 v3, v1;
	v3 =	vbroadcast v5, $0x7  }
0xfd: {  	v4 =	vsel vm0, $0x3F800000, v0  }
0xfe: {  	v2 =	vadd.f32 v2, v4;
	vm0 =	vgt.f32 v3, v1;
	v3 =	vbroadcast v5, $0x8  }
0xff: {  	v4 =	vsel vm0, $0x3F800000, v0  }
0x100: {  	v2 =	vadd.f32 v2, v4;
	vm0 =	vgt.f32 v3, v1;
	v3 =	vbroadcast v5, $0x9  }
0x101: {  	v4 =	vsel vm0, $0x3F800000, v0  }
0x102: {  	v2 =	vadd.f32 v2, v4;
	vm0 =	vgt.f32 v3, v1;
	v3 =	vbroadcast v5, $0xA  }
0x103: {  	v4 =	vsel vm0, $0x3F800000, v0  }
0x104: {  	v2 =	vadd.f32 v2, v4;
	vm0 =	vgt.f32 v3, v1;
	v3 =	vbroadcast v5, $0xB  }
0x105: {  	v4 =	vsel vm0, $0x3F800000, v0  }
0x106: {  	v2 =	vadd.f32 v2, v4;
	vm0 =	vgt.f32 v3, v1;
	v3 =	vbroadcast v5, $0xC  }
0x107: {  	v4 =	vsel vm0, $0x3F800000, v0  }
0x108: {  	v2 =	vadd.f32 v2, v4;
	vm0 =	vgt.f32 v3, v1;
	v3 =	vbroadcast v5, $0xD  }
0x109: {  	v4 =	vsel vm0, $0x3F800000, v0;
	v6 =	vld [tilespmem:s11+$0x10]  }
0x10a: {  	v2 =	vadd.f32 v2, v4;
	vm0 =	vgt.f32 v3, v1;
	v3 =	vbroadcast v5, $0xE  }
0x10b: {  	v4 =	vsel vm0, $0x3F800000, v0  }
0x10c: {  	v2 =	vadd.f32 v2, v4;
	vm0 =	vgt.f32 v3, v1;
	v3 =	vbroadcast v5, $0xF  }
0x10d: {  	v4 =	vsel vm0, $0x3F800000, v0  }
0x10e: {  	v2 =	vadd.f32 v2, v4;
	vm0 =	vgt.f32 v3, v1;
	v3 =	vbroadcast v6, $0x0  }
0x10f: {  	v4 =	vsel vm0, $0x3F800000, v0  }
0x110: {  	v2 =	vadd.f32 v2, v4;
	vm0 =	vgt.f32 v3, v1;
	v3 =	vbroadcast v6, $0x1  }
0x111: {  	v4 =	vsel vm0, $0x3F800000, v0  }
0x112: {  	v2 =	vadd.f32 v2, v4;
	vm0 =	vgt.f32 v3, v1;
	v3 =	vbroadcast v6, $0x2  }
0x113: {  	v4 =	vsel vm0, $0x3F800000, v0  }
0x114: {  	v2 =	vadd.f32 v2, v4;
	vm0 =	vgt.f32 v3, v1;
	v3 =	vbroadcast v6, $0x3  }
0x115: {  	v4 =	vsel vm0, $0x3F800000, v0  }
0x116: {  	v2 =	vadd.f32 v2, v4;
	vm0 =	vgt.f32 v3, v1;
	v3 =	vbroadcast v6, $0x4  }
0x117: {  	v4 =	vsel vm0, $0x3F800000, v0  }
0x118: {  	v2 =	vadd.f32 v2, v4;
	vm0 =	vgt.f32 v3, v1;
	v3 =	vbroadcast v6, $0x5  }
0x119: {  	v4 =	vsel vm0, $0x3F800000, v0  }
0x11a: {  	v2 =	vadd.f32 v2, v4;
	vm0 =	vgt.f32 v3, v1;
	v3 =	vbroadcast v6, $0x6  }
0x11b: {  	v4 =	vsel vm0, $0x3F800000, v0  }
0x11c: {  	v2 =	vadd.f32 v2, v4;
	vm0 =	vgt.f32 v3, v1;
	v3 =	vbroadcast v6, $0x7  }
0x11d: {  	v4 =	vsel vm0, $0x3F800000, v0  }
0x11e: {  	v2 =	vadd.f32 v2, v4;
	vm0 =	vgt.f32 v3, v1;
	v3 =	vbroadcast v6, $0x8  }
0x11f: {  	v4 =	vsel vm0, $0x3F800000, v0  }
0x120: {  	v2 =	vadd.f32 v2, v4;
	vm0 =	vgt.f32 v3, v1;
	v3 =	vbroadcast v6, $0x9  }
0x121: {  	v4 =	vsel vm0, $0x3F800000, v0  }
0x122: {  	v2 =	vadd.f32 v2, v4;
	vm0 =	vgt.f32 v3, v1;
	v3 =	vbroadcast v6, $0xA  }
0x123: {  	v4 =	vsel vm0, $0x3F800000, v0  }
0x124: {  	v2 =	vadd.f32 v2, v4;
	vm0 =	vgt.f32 v3, v1;
	v3 =	vbroadcast v6, $0xB  }
0x125: {  	v4 =	vsel vm0, $0x3F800000, v0  }
0x126: {  	v2 =	vadd.f32 v2, v4;
	vm0 =	vgt.f32 v3, v1;
	v3 =	vbroadcast v6, $0xC  }
0x127: {  	v4 =	vsel vm0, $0x3F800000, v0  }
0x128: {  	v4 =	vadd.f32 v2, v4;
	vm0 =	vgt.f32 v3, v1;
	v3 =	vbroadcast v6, $0xD  }
0x129: {  	v5 =	vsel vm0, $0x3F800000, v0;
	v2 =	vld [tilespmem:s11+$0x20]  }
0x12a: {  	v4 =	vadd.f32 v4, v5;
	vm0 =	vgt.f32 v3, v1;
	v3 =	vbroadcast v6, $0xE  }
0x12b: {  	v5 =	vsel vm0, $0x3F800000, v0  }
0x12c: {  	v4 =	vadd.f32 v4, v5;
	vm0 =	vgt.f32 v3, v1;
	v3 =	vbroadcast v6, $0xF  }
0x12d: {  	v5 =	vsel vm0, $0x3F800000, v0  }
0x12e: {  	v4 =	vadd.f32 v4, v5;
	vm0 =	vgt.f32 v3, v1;
	v3 =	vbroadcast v2, $0x0  }
0x12f: {  	v5 =	vsel vm0, $0x3F800000, v0  }
0x130: {  	v4 =	vadd.f32 v4, v5;
	vm0 =	vgt.f32 v3, v1;
	v3 =	vbroadcast v2, $0x1  }
0x131: {  	v5 =	vsel vm0, $0x3F800000, v0  }
0x132: {  	v4 =	vadd.f32 v4, v5;
	vm0 =	vgt.f32 v3, v1;
	v3 =	vbroadcast v2, $0x2  }
0x133: {  	v5 =	vsel vm0, $0x3F800000, v0  }
0x134: {  	v4 =	vadd.f32 v4, v5;
	vm0 =	vgt.f32 v3, v1;
	v3 =	vbroadcast v2, $0x3  }
0x135: {  	v5 =	vsel vm0, $0x3F800000, v0  }
0x136: {  	v4 =	vadd.f32 v4, v5;
	vm0 =	vgt.f32 v3, v1;
	v3 =	vbroadcast v2, $0x4  }
0x137: {  	v5 =	vsel vm0, $0x3F800000, v0  }
0x138: {  	v4 =	vadd.f32 v4, v5;
	vm0 =	vgt.f32 v3, v1;
	v3 =	vbroadcast v2, $0x5  }
0x139: {  	v5 =	vsel vm0, $0x3F800000, v0  }
0x13a: {  	v4 =	vadd.f32 v4, v5;
	vm0 =	vgt.f32 v3, v1;
	v3 =	vbroadcast v2, $0x6  }
0x13b: {  	v5 =	vsel vm0, $0x3F800000, v0  }
0x13c: {  	v4 =	vadd.f32 v4, v5;
	vm0 =	vgt.f32 v3, v1;
	v3 =	vbroadcast v2, $0x7  }
0x13d: {  	v5 =	vsel vm0, $0x3F800000, v0  }
0x13e: {  	v4 =	vadd.f32 v4, v5;
	vm0 =	vgt.f32 v3, v1;
	v3 =	vbroadcast v2, $0x8  }
0x13f: {  	v5 =	vsel vm0, $0x3F800000, v0  }
0x140: {  	v4 =	vadd.f32 v4, v5;
	vm0 =	vgt.f32 v3, v1;
	v3 =	vbroadcast v2, $0x9  }
0x141: {  	v5 =	vsel vm0, $0x3F800000, v0  }
0x142: {  	v4 =	vadd.f32 v4, v5;
	vm0 =	vgt.f32 v3, v1;
	v3 =	vbroadcast v2, $0xA  }
0x143: {  	v5 =	vsel vm0, $0x3F800000, v0  }
.Ltmp0:
0x144: {  	v4 =	vadd.f32 v4, v5;
	vm0 =	vgt.f32 v3, v1;
	v3 =	vbroadcast v2, $0xB;
	(pc) =	sbr.rel @p0 .LBB2_2-.Ltmp0, $4  }
0x145: {  	v5 =	vsel vm0, $0x3F800000, v0  }
0x146: {  	v4 =	vadd.f32 v4, v5;
	vm0 =	vgt.f32 v3, v1;
	v5 =	vbroadcast v2, $0xC  }
0x147: {  	v3 =	vsel vm0, $0x3F800000, v0  }
0x148: {  	s11 =	sadd.s32 $0x50, s11;
	v3 =	vadd.f32 v4, v3;
	vm0 =	vgt.f32 v5, v1;
	v4 =	vbroadcast v2, $0xD  }
0x149: {  	v5 =	vsel vm0, $0x3F800000, v0  }
0x14a: {  	v62 =	vbroadcast v2, $0xE;
	v3 =	vadd.f32 v3, v5;
	vm12 =	vgt.f32 v4, v1  }
0x14b: {  	v63 =	vsel vm12, $0x3F800000, v0  }
0x14c: {  	v2 =	vbroadcast v2, $0xF;
	vm13 =	vgt.f32 v62, v1;
	v3 =	vadd.f32 v3, v63  }
0x14d: {  	v4 =	vsel vm13, $0x3F800000, v0  }
0x14e: {  	vm14 =	vgt.f32 v2, v1;
	v3 =	vadd.f32 v3, v4  }
0x14f: {  	v2 =	vsel vm14, $0x3F800000, v0  }
0x150: {  	v2 =	vadd.f32 v3, v2;
	_ =	sdelay $0x1  }
0x151: {  	s9 =	sadd.s32 $0x1, s9;
	vm15 =	vlt.f32 v2, $5.000000000e+01  }
0x152: {  	p0 =	sne.s32 s9, s6;
	v1 =	vnsel vm15, $0x0, v1  }
.Ltmp1:
0x153: {  	[tilespmem:$0x200] =	vst v1;
	(pc) =	sbr.rel @p0 .LBB2_1-.Ltmp1, $4  }
0x154: {  	[hbm4b:s5+s3] =	stream.linear.scatter [tilespmem:s8], [sflag:$0x1], $0x10, $0x38;
	[tilespmem:$0x280] =	vst v63  }
0x155: {  	_ =	swait.ge [sflag:s7], $0x10  }
0x156: {  	[sflag:s7] =	ssyncset.done $0x0  }
0x157: {  	[sflag:s7] =	ssyncadd.s32 $0xFFFFFFF0  }
0x158: {  	_ =	sfence.sel $0x180000  }
0x159: {  	[bflag:$0x0] =	sbarrier.arrive $0xFFFF  }
0x15a: {  	p0 =	sne.s32 s1, $0x0;
	_ =	strace $0x90000047  }
0x15b: {  	s0 =	sadd.s32 @!p0 $0x100000, s0;
	[bflag:$0x2] =	sbarrier.arrive $0xFFFF  }
0x15c: {  	[sflag:s0] =	ssyncadd.tile.s32 @!p0 $0x1;
	_ =	shalt  }
.Lfunc_end2:
_tile_overlayer_lowered:
.L_overlay_start_2:
0x15d: {  	(tag) =	ssettag $0x2  }
0x15e: {  	s0 =	rddreg [dreg:$0x0];
	s2 =	stileid.u32  }
0x15f: {  	s1 =	rddreg [dreg:$0x1];
	p0 =	sne.s32 s2, $0x0  }
0x160: {  	s3 =	rddreg [dreg:$0x2];
	[bflag:$0x3] =	sbarrier.arrive $0xFFFF;
	s2 =	simm.s32 @!p0 $0x1C01  }
0x161: {  	[timem:s3], [sflag:s2] =	dma.local @!p0 [hbm:s0], s1  }
0x162: {  	s0 =	simm.s32 @!p0 $0x1  }
0x163: {  	_ =	swait.ge @!p0 [sflag:s0], s1  }
0x164: {  	s1 =	ssub.s32 @!p0 $0x0, s1;
	[sflag:s0] =	ssyncset.done @!p0 $0x0  }
0x165: {  	[sflag:s0] =	ssyncadd.s32 @!p0 s1  }
0x166: {  	[bflag:$0x3] =	sbarrier.arrive $0xFFFF  }
0x167: {  	_ =	shalt  }

</sc_bundles>
